<compile_context>
chip_gen: v7x
topology: tpu7x:2x2x1
jax: 0.10.2.dev20260603
libtpu: 0.0.44.dev20260713+nightly
codegen_flags: <defaults>
</compile_context>

<pallas_src>
import functools

import jax
import jax.numpy as jnp
from jax import lax
from jax.experimental import pallas as pl
from jax.experimental.pallas import tpu as pltpu
from jax.experimental.pallas import tpu_sc as plsc

N = 50000
V = 6890
J = 24

VP = 6912
NA = 50176
BN = 1024
BV = 1152
NW = 32
NSC = NA
PERW = NSC // NW
BN2 = 1024


def _knn_body(xyz_ref, vt_ref, v2_ref, idx_ref):
    xb = xyz_ref[...]
    rm = None
    ri = None
    for c in range(VP // BV):
        m = lax.dot_general(xb, vt_ref[:, c * BV:(c + 1) * BV],
                            (((1,), (0,)), ((), ())),
                            preferred_element_type=jnp.float32)
        for s in range(BV // 128):
            d2 = (m[:, s * 128:(s + 1) * 128]
                  + v2_ref[:, (c * BV // 128 + s) * 128:(c * BV // 128 + s) * 128 + 128])
            cid = c * (BV // 128) + s
            if rm is None:
                rm = d2
                ri = jnp.zeros((BN, 128), jnp.int32)
            else:
                upd = d2 < rm
                rm = jnp.where(upd, d2, rm)
                ri = jnp.where(upd, jnp.int32(cid), ri)
    gmin = jnp.min(rm, axis=1, keepdims=True)
    lane = lax.broadcasted_iota(jnp.int32, (BN, 128), 1)
    cand = jnp.where(rm == gmin, ri * 128 + lane, jnp.int32(2 ** 30))
    idx_ref[...] = jnp.min(cand, axis=1, keepdims=True)


def _knn_call(xyz8, vtb, v2p):
    nb = xyz8.shape[0]
    return pl.pallas_call(
        _knn_body,
        grid=(nb // BN,),
        in_specs=[
            pl.BlockSpec((BN, 8), lambda i: (i, 0)),
            pl.BlockSpec((8, VP), lambda i: (0, 0)),
            pl.BlockSpec((1, VP), lambda i: (0, 0)),
        ],
        out_specs=pl.BlockSpec((BN, 1), lambda i: (i, 0)),
        out_shape=jax.ShapeDtypeStruct((nb, 1), jnp.int32),
    )(xyz8, vtb, v2p)


def _tv_body(w_ref, b_ref, out_ref):
    out_ref[...] = lax.dot_general(
        w_ref[...], b_ref[...], (((1,), (0,)), ((), ())),
        preferred_element_type=jnp.float32)


def _tv_call(w_p, b16):
    return pl.pallas_call(
        _tv_body,
        out_shape=jax.ShapeDtypeStruct((VP, 16), jnp.float32),
    )(w_p, b16)


def _gather_rows(tv, idx_sc, nb):
    perw = nb // NW
    mesh = plsc.VectorSubcoreMesh(core_axis_name="c", subcore_axis_name="s")

    @functools.partial(
        pl.kernel, mesh=mesh,
        out_type=jax.ShapeDtypeStruct((nb, 16), jnp.float32),
        scratch_types=[
            pltpu.VMEM((perw,), jnp.int32),
            pltpu.VMEM((perw, 16), jnp.float32),
            pltpu.SemaphoreType.DMA,
        ],
        compiler_params=pltpu.CompilerParams(use_tc_tiling_on_sc=False),
    )
    def k(tv_hbm, idx_hbm, out_hbm, idx_v, rows_v, sem):
        wid = lax.axis_index("s") * 2 + lax.axis_index("c")
        base = wid * perw
        pltpu.sync_copy(idx_hbm.at[pl.ds(base, perw)], idx_v)
        pltpu.async_copy(tv_hbm.at[idx_v], rows_v, sem).wait()
        pltpu.sync_copy(rows_v, out_hbm.at[pl.ds(base, perw)])

    return k(tv, idx_sc)


def _dense_body(xt_ref, rt_ref, tt_ref, out_ref):
    xt = xt_ref[...].T
    rt = rt_ref[...].T
    tt = tt_ref[...].T
    x = xt[0:1, :]
    y = xt[1:2, :]
    z = xt[2:3, :]
    r = [rt[i:i + 1, :] for i in range(4)]
    t = [tt[i:i + 1, :] for i in range(12)]

    norm = jnp.sqrt(r[0] * r[0] + r[1] * r[1] + r[2] * r[2] + r[3] * r[3])
    qw = r[0] / norm
    qx = r[1] / norm
    qy = r[2] / norm
    qz = r[3] / norm
    R = [
        1.0 - 2.0 * (qy * qy + qz * qz),
        2.0 * (qx * qy - qw * qz),
        2.0 * (qx * qz + qw * qy),
        2.0 * (qx * qy + qw * qz),
        1.0 - 2.0 * (qx * qx + qz * qz),
        2.0 * (qy * qz - qw * qx),
        2.0 * (qx * qz - qw * qy),
        2.0 * (qy * qz + qw * qx),
        1.0 - 2.0 * (qx * qx + qy * qy),
    ]
    rows = []
    for rr in range(3):
        rows.append(t[4 * rr] * x + t[4 * rr + 1] * y
                    + t[4 * rr + 2] * z + t[4 * rr + 3])
    for rr in range(3):
        for cc in range(3):
            rows.append(t[4 * rr] * R[cc] + t[4 * rr + 1] * R[3 + cc]
                        + t[4 * rr + 2] * R[6 + cc])
    out_ref[...] = jnp.concatenate(rows, axis=0).T


def _dense_call(xt, rt, tt):
    return pl.pallas_call(
        _dense_body,
        grid=(NA // BN2,),
        in_specs=[
            pl.BlockSpec((BN2, 8), lambda i: (i, 0)),
            pl.BlockSpec((BN2, 4), lambda i: (i, 0)),
            pl.BlockSpec((BN2, 16), lambda i: (i, 0)),
        ],
        out_specs=pl.BlockSpec((BN2, 12), lambda i: (i, 0)),
        out_shape=jax.ShapeDtypeStruct((N, 12), jnp.float32),
    )(xt, rt, tt)


def kernel(xyz, rotation, smpl_verts, skinning_weights, bone_transforms):
    f32 = jnp.float32
    xyz_p = jnp.zeros((NA, 8), f32).at[:N, :3].set(xyz)
    vtb = jnp.zeros((8, VP), f32).at[:3, :V].set(-2.0 * smpl_verts.T)
    v2p = jnp.full((1, VP), 1e30, f32).at[0, :V].set(
        jnp.sum(smpl_verts * smpl_verts, axis=-1))

    idx = _knn_call(xyz_p, vtb, v2p)

    w_p = jnp.zeros((VP, J), f32).at[:V].set(skinning_weights)
    tv = _tv_call(w_p, bone_transforms.reshape(J, 16))

    tg = _gather_rows(tv, idx.reshape(NSC), NSC)

    return _dense_call(xyz_p, rotation, tg)

# --- scband reference (transcript-rebuilt; emitter-appended) ---
"""Pipeline reference for scband-smplnn-26534307954892 (READ-ONLY COPY).

The authoritative reference and input builder live on the scoring server;
editing this copy changes nothing except your own understanding.
"""

import jax, jax.numpy as jnp
import numpy as np

N = 50000
V = 6890
J = 24
CHUNK = 5000

def setup_inputs(seed: int = 0) -> dict:
    key = jax.random.key(seed)
    k1, k2, k3, k4, k5 = jax.random.split(key, 5)
    xyz = jax.random.normal(k1, (N, 3), dtype=jnp.float32)
    rotation = jax.random.normal(k2, (N, 4), dtype=jnp.float32)
    smpl_verts = jax.random.normal(k3, (V, 3), dtype=jnp.float32)
    w = jax.random.uniform(k4, (V, J), dtype=jnp.float32)
    skinning_weights = w / jnp.sum(w, axis=-1, keepdims=True)
    bone_transforms = jax.random.normal(k5, (J, 4, 4), dtype=jnp.float32)
    return {
        "xyz": xyz,
        "rotation": rotation,
        "smpl_verts": smpl_verts,
        "skinning_weights": skinning_weights,
        "bone_transforms": bone_transforms,
    }


def build_rotation(r):
    norm = jnp.sqrt(jnp.sum(r * r, axis=-1, keepdims=True))
    q = r / norm
    w, x, y, z = q[:, 0], q[:, 1], q[:, 2], q[:, 3]
    r00 = 1 - 2 * (y * y + z * z)
    r01 = 2 * (x * y - w * z)
    r02 = 2 * (x * z + w * y)
    r10 = 2 * (x * y + w * z)
    r11 = 1 - 2 * (x * x + z * z)
    r12 = 2 * (y * z - w * x)
    r20 = 2 * (x * z - w * y)
    r21 = 2 * (y * z + w * x)
    r22 = 1 - 2 * (x * x + y * y)
    R = jnp.stack([r00, r01, r02, r10, r11, r12, r20, r21, r22], axis=-1)
    return R.reshape(-1, 3, 3)


def knn1_idx(xyz, verts):
    # brute-force 1-NN (knn_points with K=1), chunked to bound the NxV distance matrix
    v2 = jnp.sum(verts * verts, axis=-1)
    def chunk_fn(xc):
        d2 = jnp.sum(xc * xc, axis=-1, keepdims=True) - 2.0 * (xc @ verts.T) + v2[None, :]
        return jnp.argmin(d2, axis=-1)
    chunks = xyz.reshape(-1, CHUNK, 3)
    return jax.lax.map(chunk_fn, chunks).reshape(-1)


def reference(xyz, rotation, smpl_verts, skinning_weights, bone_transforms):
    n_pts = xyz.shape[0]
    # query_weights: 1-NN lookup into SMPL skinning weights
    p_idx = knn1_idx(xyz, smpl_verts)
    pts_W = skinning_weights[p_idx, :]
    # forward LBS transform
    T_fwd = (pts_W @ bone_transforms.reshape(-1, 16)).reshape(n_pts, 4, 4)
    homo = jnp.ones((n_pts, 1), dtype=jnp.float32)
    x_hat_homo = jnp.concatenate([xyz, homo], axis=-1).reshape(n_pts, 4, 1)
    x_bar = jnp.matmul(T_fwd, x_hat_homo)[:, :3, 0]
    rotation_hat = build_rotation(rotation)
    rotation_bar = jnp.matmul(T_fwd[:, :3, :3], rotation_hat)
    # deformed xyz and precomputed rotation, concatenated into a single output tensor
    return jnp.concatenate([x_bar, rotation_bar.reshape(n_pts, 9)], axis=-1)

if __name__ == "__main__":
    import jax
    _d = setup_inputs()
    print(jax.jit(kernel)(*tuple(_d.values())))

</pallas_src>

<mosaic_0001>
#map = affine_map<(d0, d1) -> (0, 0)>
#map1 = affine_map<(d0, d1) -> (0)>
module attributes {stable_mosaic.version = 14 : i64} {
  func.func @k(%arg0: i32, %arg1: i32, %arg2: memref<6912x16xf32, #tpu.memory_space<hbm>>, %arg3: memref<50176xi32, #tpu.memory_space<hbm>>, %arg4: memref<50176x16xf32, #tpu.memory_space<hbm>>, %arg5: memref<1568xi32, #tpu.memory_space<vmem>>, %arg6: memref<1568x16xf32, #tpu.memory_space<vmem>>, %arg7: memref<!tpu.dma_semaphore, #tpu.memory_space<semaphore_mem>>) attributes {dimension_semantics = [#tpu.dimension_semantics<core_parallel>, #tpu.dimension_semantics<subcore_parallel>], iteration_bounds = array<i64: 2, 16>, scalar_prefetch = 0 : i64, scratch_operands = 3 : i64, tpu.core_type = #tpu.core_type<sc_vector_subcore>, window_params = [{transform_indices = #map}, {transform_indices = #map1}, {transform_indices = #map}]} {
    %mul3A = arith.constant 2 : i32
    %mul3A_0 = arith.muli %arg1, %mul3A : i32
    %add3A = arith.addi %mul3A_0, %arg0 : i32
    %mul3A_1 = arith.constant 1568 : i32
    %mul3A_2 = arith.muli %add3A, %mul3A_1 : i32
    "tpu.region"() ({
      %run_scoped3A = tpu.sem_alloc : memref<!tpu.dma_semaphore, #tpu.memory_space<semaphore_mem>>
      %dma_start3A_7 = tpu.memref_slice %arg3[%mul3A_2] : memref<50176xi32, #tpu.memory_space<hbm>> -> memref<1568xi32, #tpu.memory_space<hbm>>
      %dma_start3A_8 = tpu.memref_slice %arg3[%mul3A_2] : memref<50176xi32, #tpu.memory_space<hbm>> -> memref<1568xi32, #tpu.memory_space<hbm>>
      tpu.enqueue_dma source(%dma_start3A_8 : memref<1568xi32, #tpu.memory_space<hbm>>) target(%arg5 : memref<1568xi32, #tpu.memory_space<vmem>>) target_semaphore(%run_scoped3A : memref<!tpu.dma_semaphore, #tpu.memory_space<semaphore_mem>>)
      %dma_wait3A_9 = tpu.memref_slice %arg3[%mul3A_2] : memref<50176xi32, #tpu.memory_space<hbm>> -> memref<1568xi32, #tpu.memory_space<hbm>>
      %dma_wait3A_10 = tpu.memref_slice %arg3[%mul3A_2] : memref<50176xi32, #tpu.memory_space<hbm>> -> memref<1568xi32, #tpu.memory_space<hbm>>
      tpu.wait_dma2 semaphore(%run_scoped3A : memref<!tpu.dma_semaphore, #tpu.memory_space<semaphore_mem>>) src(%dma_wait3A_10 : memref<1568xi32, #tpu.memory_space<hbm>>) dst(%arg5 : memref<1568xi32, #tpu.memory_space<vmem>>)
      tpu.yield
    }) : () -> ()
    %dma_start3A = arith.constant 0 : i32
    %dma_start3A_3 = arith.constant 0 : i32
    %dma_start3A_4 = tpu.memref_slice %arg2[%dma_start3A, %dma_start3A_3] : memref<6912x16xf32, #tpu.memory_space<hbm>> -> memref<6912x16xf32, #tpu.memory_space<hbm>>
    tpu.enqueue_indirect_dma source(%dma_start3A_4 : memref<6912x16xf32, #tpu.memory_space<hbm>>) target(%arg6 : memref<1568x16xf32, #tpu.memory_space<vmem>>) offsets(%arg5 : memref<1568xi32, #tpu.memory_space<vmem>>) semaphore(%arg7 : memref<!tpu.dma_semaphore, #tpu.memory_space<semaphore_mem>>)
    %dma_wait3A = arith.constant 0 : i32
    %dma_wait3A_5 = arith.constant 0 : i32
    %dma_wait3A_6 = tpu.memref_slice %arg2[%dma_wait3A, %dma_wait3A_5] : memref<6912x16xf32, #tpu.memory_space<hbm>> -> memref<6912x16xf32, #tpu.memory_space<hbm>>
    tpu.wait_indirect_dma semaphore(%arg7 : memref<!tpu.dma_semaphore, #tpu.memory_space<semaphore_mem>>) src(%dma_wait3A_6 : memref<6912x16xf32, #tpu.memory_space<hbm>>) dst(%arg6 : memref<1568x16xf32, #tpu.memory_space<vmem>>)
    "tpu.region"() ({
      %run_scoped3A = tpu.sem_alloc : memref<!tpu.dma_semaphore, #tpu.memory_space<semaphore_mem>>
      %dma_start3A_7 = arith.constant 0 : i32
      %dma_start3A_8 = tpu.memref_slice %arg4[%mul3A_2, %dma_start3A_7] : memref<50176x16xf32, #tpu.memory_space<hbm>> -> memref<1568x16xf32, #tpu.memory_space<hbm>>
      %dma_start3A_9 = arith.constant 0 : i32
      %dma_start3A_10 = tpu.memref_slice %arg4[%mul3A_2, %dma_start3A_9] : memref<50176x16xf32, #tpu.memory_space<hbm>> -> memref<1568x16xf32, #tpu.memory_space<hbm>>
      tpu.enqueue_dma source(%arg6 : memref<1568x16xf32, #tpu.memory_space<vmem>>) target(%dma_start3A_10 : memref<1568x16xf32, #tpu.memory_space<hbm>>) target_semaphore(%run_scoped3A : memref<!tpu.dma_semaphore, #tpu.memory_space<semaphore_mem>>)
      %dma_wait3A_11 = arith.constant 0 : i32
      %dma_wait3A_12 = tpu.memref_slice %arg4[%mul3A_2, %dma_wait3A_11] : memref<50176x16xf32, #tpu.memory_space<hbm>> -> memref<1568x16xf32, #tpu.memory_space<hbm>>
      %dma_wait3A_13 = arith.constant 0 : i32
      %dma_wait3A_14 = tpu.memref_slice %arg4[%mul3A_2, %dma_wait3A_13] : memref<50176x16xf32, #tpu.memory_space<hbm>> -> memref<1568x16xf32, #tpu.memory_space<hbm>>
      tpu.wait_dma2 semaphore(%run_scoped3A : memref<!tpu.dma_semaphore, #tpu.memory_space<semaphore_mem>>) src(%arg6 : memref<1568x16xf32, #tpu.memory_space<vmem>>) dst(%dma_wait3A_14 : memref<1568x16xf32, #tpu.memory_space<hbm>>)
      tpu.yield
    }) : () -> ()
    return
  }
}

module attributes {stable_mosaic.version = 14 : i64} {
  func.func @_tv_body(%arg0: memref<6912x24xf32, #tpu.memory_space<vmem>>, %arg1: memref<24x16xf32, #tpu.memory_space<vmem>>, %arg2: memref<6912x16xf32, #tpu.memory_space<vmem>>) attributes {dimension_semantics = [], scalar_prefetch = 0 : i64, scratch_operands = 0 : i64, tpu.core_type = #tpu.core_type<tc>} {
    %get3A = arith.constant 0 : index
    %get3A_0 = arith.constant 0 : index
    %get3A_1 = vector.load %arg0[%get3A, %get3A_0] : memref<6912x24xf32, #tpu.memory_space<vmem>>, vector<6912x24xf32>
    %get3A_2 = arith.constant 0 : index
    %get3A_3 = arith.constant 0 : index
    %get3A_4 = vector.load %arg1[%get3A_2, %get3A_3] : memref<24x16xf32, #tpu.memory_space<vmem>>, vector<24x16xf32>
    %dot_general3A = arith.constant dense<0.000000e+00> : vector<6912x16xf32>
    %dot_general3A_5 = tpu.matmul %get3A_1, %get3A_4, %dot_general3A {dimension_numbers = #tpu.dot_dimension_numbers<[1], [0], [0], [1], [0, 0, 1, 1], [], []>, transpose_lhs_hint = false} : vector<6912x24xf32>, vector<24x16xf32>, vector<6912x16xf32> -> vector<6912x16xf32>
    %swap3A = arith.constant 0 : index
    %swap3A_6 = arith.constant 0 : index
    %swap3A_7 = vector.load %arg2[%swap3A, %swap3A_6] : memref<6912x16xf32, #tpu.memory_space<vmem>>, vector<6912x16xf32>
    tpu.vector_store %arg2[%swap3A, %swap3A_6], %dot_general3A_5 {strides = array<i32>} : memref<6912x16xf32, #tpu.memory_space<vmem>>, vector<6912x16xf32>,
    return
  }
}

module attributes {stable_mosaic.version = 14 : i64} {
  func.func @_knn_body(%arg0: i32, %arg1: memref<1024x8xf32, #tpu.memory_space<vmem>>, %arg2: memref<8x6912xf32, #tpu.memory_space<vmem>>, %arg3: memref<1x6912xf32, #tpu.memory_space<vmem>>, %arg4: memref<1024x1xi32, #tpu.memory_space<vmem>>) attributes {dimension_semantics = [#tpu.dimension_semantics<arbitrary>], iteration_bounds = array<i64: 49>, scalar_prefetch = 0 : i64, scratch_operands = 0 : i64, tpu.core_type = #tpu.core_type<tc>, window_params = [{transform_indices = @transform_0, window_bounds = array<i64: 1024, 8>}, {pipeline_mode = #tpu.pipeline_mode<synchronous>, transform_indices = @transform_1, window_bounds = array<i64: 8, 6912>}, {pipeline_mode = #tpu.pipeline_mode<synchronous>, transform_indices = @transform_2, window_bounds = array<i64: 1, 6912>}, {transform_indices = @transform_3, window_bounds = array<i64: 1024, 1>}]} {
    %get3A = arith.constant 0 : index
    %get3A_0 = arith.constant 0 : index
    %get3A_1 = vector.load %arg1[%get3A, %get3A_0] : memref<1024x8xf32, #tpu.memory_space<vmem>>, vector<1024x8xf32>
    %get3A_2 = arith.constant 0 : index
    %get3A_3 = arith.constant 0 : index
    %get3A_4 = vector.load %arg2[%get3A_2, %get3A_3] : memref<8x6912xf32, #tpu.memory_space<vmem>>, vector<8x1152xf32>
    %dot_general3A = arith.constant dense<0.000000e+00> : vector<1024x1152xf32>
    %dot_general3A_5 = tpu.matmul %get3A_1, %get3A_4, %dot_general3A {dimension_numbers = #tpu.dot_dimension_numbers<[1], [0], [0], [1], [0, 0, 1, 1], [], []>, transpose_lhs_hint = false} : vector<1024x8xf32>, vector<8x1152xf32>, vector<1024x1152xf32> -> vector<1024x1152xf32>
    %slice3A = vector.extract_strided_slice %dot_general3A_5 {offsets = [0, 0], sizes = [1024, 128], strides = [1, 1]} : vector<1024x1152xf32> to vector<1024x128xf32>
    %get3A_6 = arith.constant 0 : index
    %get3A_7 = arith.constant 0 : index
    %get3A_8 = vector.load %arg3[%get3A_6, %get3A_7] : memref<1x6912xf32, #tpu.memory_space<vmem>>, vector<1x128xf32>
    %add3A = vector.broadcast %get3A_8 : vector<1x128xf32> to vector<1024x128xf32>
    %add3A_9 = arith.addf %slice3A, %add3A : vector<1024x128xf32>
    %broadcast_in_dim3A = arith.constant 0 : i32
    %broadcast_in_dim3A_10 = vector.broadcast %broadcast_in_dim3A : i32 to vector<1024x128xi32>
    %slice3A_11 = vector.extract_strided_slice %dot_general3A_5 {offsets = [0, 128], sizes = [1024, 128], strides = [1, 1]} : vector<1024x1152xf32> to vector<1024x128xf32>
    %get3A_12 = arith.constant 0 : index
    %get3A_13 = arith.constant 128 : index
    %get3A_14 = vector.load %arg3[%get3A_12, %get3A_13] : memref<1x6912xf32, #tpu.memory_space<vmem>>, vector<1x128xf32>
    %add3A_15 = vector.broadcast %get3A_14 : vector<1x128xf32> to vector<1024x128xf32>
    %add3A_16 = arith.addf %slice3A_11, %add3A_15 : vector<1024x128xf32>
    %lt3A = arith.cmpf olt, %add3A_16, %add3A_9 : vector<1024x128xf32>
    %select_n3A = arith.select %lt3A, %add3A_16, %add3A_9 : vector<1024x128xi1>, vector<1024x128xf32>
    %jit3A = arith.constant 1 : i32
    %broadcast_in_dim3A_17 = vector.broadcast %jit3A : i32 to vector<1024x128xi32>
    %select_n3A_18 = arith.select %lt3A, %broadcast_in_dim3A_17, %broadcast_in_dim3A_10 : vector<1024x128xi1>, vector<1024x128xi32>
    %slice3A_19 = vector.extract_strided_slice %dot_general3A_5 {offsets = [0, 256], sizes = [1024, 128], strides = [1, 1]} : vector<1024x1152xf32> to vector<1024x128xf32>
    %get3A_20 = arith.constant 0 : index
    %get3A_21 = arith.constant 256 : index
    %get3A_22 = vector.load %arg3[%get3A_20, %get3A_21] : memref<1x6912xf32, #tpu.memory_space<vmem>>, vector<1x128xf32>
    %add3A_23 = vector.broadcast %get3A_22 : vector<1x128xf32> to vector<1024x128xf32>
    %add3A_24 = arith.addf %slice3A_19, %add3A_23 : vector<1024x128xf32>
    %lt3A_25 = arith.cmpf olt, %add3A_24, %select_n3A : vector<1024x128xf32>
    %select_n3A_26 = arith.select %lt3A_25, %add3A_24, %select_n3A : vector<1024x128xi1>, vector<1024x128xf32>
    %jit3A_27 = arith.constant 2 : i32
    %broadcast_in_dim3A_28 = vector.broadcast %jit3A_27 : i32 to vector<1024x128xi32>
    %select_n3A_29 = arith.select %lt3A_25, %broadcast_in_dim3A_28, %select_n3A_18 : vector<1024x128xi1>, vector<1024x128xi32>
    %slice3A_30 = vector.extract_strided_slice %dot_general3A_5 {offsets = [0, 384], sizes = [1024, 128], strides = [1, 1]} : vector<1024x1152xf32> to vector<1024x128xf32>
    %get3A_31 = arith.constant 0 : index
    %get3A_32 = arith.constant 384 : index
    %get3A_33 = vector.load %arg3[%get3A_31, %get3A_32] : memref<1x6912xf32, #tpu.memory_space<vmem>>, vector<1x128xf32>
    %add3A_34 = vector.broadcast %get3A_33 : vector<1x128xf32> to vector<1024x128xf32>
    %add3A_35 = arith.addf %slice3A_30, %add3A_34 : vector<1024x128xf32>
    %lt3A_36 = arith.cmpf olt, %add3A_35, %select_n3A_26 : vector<1024x128xf32>
    %select_n3A_37 = arith.select %lt3A_36, %add3A_35, %select_n3A_26 : vector<1024x128xi1>, vector<1024x128xf32>
    %jit3A_38 = arith.constant 3 : i32
    %broadcast_in_dim3A_39 = vector.broadcast %jit3A_38 : i32 to vector<1024x128xi32>
    %select_n3A_40 = arith.select %lt3A_36, %broadcast_in_dim3A_39, %select_n3A_29 : vector<1024x128xi1>, vector<1024x128xi32>
    %slice3A_41 = vector.extract_strided_slice %dot_general3A_5 {offsets = [0, 512], sizes = [1024, 128], strides = [1, 1]} : vector<1024x1152xf32> to vector<1024x128xf32>
    %get3A_42 = arith.constant 0 : index
    %get3A_43 = arith.constant 512 : index
    %get3A_44 = vector.load %arg3[%get3A_42, %get3A_43] : memref<1x6912xf32, #tpu.memory_space<vmem>>, vector<1x128xf32>
    %add3A_45 = vector.broadcast %get3A_44 : vector<1x128xf32> to vector<1024x128xf32>
    %add3A_46 = arith.addf %slice3A_41, %add3A_45 : vector<1024x128xf32>
    %lt3A_47 = arith.cmpf olt, %add3A_46, %select_n3A_37 : vector<1024x128xf32>
    %select_n3A_48 = arith.select %lt3A_47, %add3A_46, %select_n3A_37 : vector<1024x128xi1>, vector<1024x128xf32>
    %jit3A_49 = arith.constant 4 : i32
    %broadcast_in_dim3A_50 = vector.broadcast %jit3A_49 : i32 to vector<1024x128xi32>
    %select_n3A_51 = arith.select %lt3A_47, %broadcast_in_dim3A_50, %select_n3A_40 : vector<1024x128xi1>, vector<1024x128xi32>
    %slice3A_52 = vector.extract_strided_slice %dot_general3A_5 {offsets = [0, 640], sizes = [1024, 128], strides = [1, 1]} : vector<1024x1152xf32> to vector<1024x128xf32>
    %get3A_53 = arith.constant 0 : index
    %get3A_54 = arith.constant 640 : index
    %get3A_55 = vector.load %arg3[%get3A_53, %get3A_54] : memref<1x6912xf32, #tpu.memory_space<vmem>>, vector<1x128xf32>
    %add3A_56 = vector.broadcast %get3A_55 : vector<1x128xf32> to vector<1024x128xf32>
    %add3A_57 = arith.addf %slice3A_52, %add3A_56 : vector<1024x128xf32>
    %lt3A_58 = arith.cmpf olt, %add3A_57, %select_n3A_48 : vector<1024x128xf32>
    %select_n3A_59 = arith.select %lt3A_58, %add3A_57, %select_n3A_48 : vector<1024x128xi1>, vector<1024x128xf32>
    %jit3A_60 = arith.constant 5 : i32
    %broadcast_in_dim3A_61 = vector.broadcast %jit3A_60 : i32 to vector<1024x128xi32>
    %select_n3A_62 = arith.select %lt3A_58, %broadcast_in_dim3A_61, %select_n3A_51 : vector<1024x128xi1>, vector<1024x128xi32>
    %slice3A_63 = vector.extract_strided_slice %dot_general3A_5 {offsets = [0, 768], sizes = [1024, 128], strides = [1, 1]} : vector<1024x1152xf32> to vector<1024x128xf32>
    %get3A_64 = arith.constant 0 : index
    %get3A_65 = arith.constant 768 : index
    %get3A_66 = vector.load %arg3[%get3A_64, %get3A_65] : memref<1x6912xf32, #tpu.memory_space<vmem>>, vector<1x128xf32>
    %add3A_67 = vector.broadcast %get3A_66 : vector<1x128xf32> to vector<1024x128xf32>
    %add3A_68 = arith.addf %slice3A_63, %add3A_67 : vector<1024x128xf32>
    %lt3A_69 = arith.cmpf olt, %add3A_68, %select_n3A_59 : vector<1024x128xf32>
    %select_n3A_70 = arith.select %lt3A_69, %add3A_68, %select_n3A_59 : vector<1024x128xi1>, vector<1024x128xf32>
    %jit3A_71 = arith.constant 6 : i32
    %broadcast_in_dim3A_72 = vector.broadcast %jit3A_71 : i32 to vector<1024x128xi32>
    %select_n3A_73 = arith.select %lt3A_69, %broadcast_in_dim3A_72, %select_n3A_62 : vector<1024x128xi1>, vector<1024x128xi32>
    %slice3A_74 = vector.extract_strided_slice %dot_general3A_5 {offsets = [0, 896], sizes = [1024, 128], strides = [1, 1]} : vector<1024x1152xf32> to vector<1024x128xf32>
    %get3A_75 = arith.constant 0 : index
    %get3A_76 = arith.constant 896 : index
    %get3A_77 = vector.load %arg3[%get3A_75, %get3A_76] : memref<1x6912xf32, #tpu.memory_space<vmem>>, vector<1x128xf32>
    %add3A_78 = vector.broadcast %get3A_77 : vector<1x128xf32> to vector<1024x128xf32>
    %add3A_79 = arith.addf %slice3A_74, %add3A_78 : vector<1024x128xf32>
    %lt3A_80 = arith.cmpf olt, %add3A_79, %select_n3A_70 : vector<1024x128xf32>
    %select_n3A_81 = arith.select %lt3A_80, %add3A_79, %select_n3A_70 : vector<1024x128xi1>, vector<1024x128xf32>
    %jit3A_82 = arith.constant 7 : i32
    %broadcast_in_dim3A_83 = vector.broadcast %jit3A_82 : i32 to vector<1024x128xi32>
    %select_n3A_84 = arith.select %lt3A_80, %broadcast_in_dim3A_83, %select_n3A_73 : vector<1024x128xi1>, vector<1024x128xi32>
    %slice3A_85 = vector.extract_strided_slice %dot_general3A_5 {offsets = [0, 1024], sizes = [1024, 128], strides = [1, 1]} : vector<1024x1152xf32> to vector<1024x128xf32>
    %get3A_86 = arith.constant 0 : index
    %get3A_87 = arith.constant 1024 : index
    %get3A_88 = vector.load %arg3[%get3A_86, %get3A_87] : memref<1x6912xf32, #tpu.memory_space<vmem>>, vector<1x128xf32>
    %add3A_89 = vector.broadcast %get3A_88 : vector<1x128xf32> to vector<1024x128xf32>
    %add3A_90 = arith.addf %slice3A_85, %add3A_89 : vector<1024x128xf32>
    %lt3A_91 = arith.cmpf olt, %add3A_90, %select_n3A_81 : vector<1024x128xf32>
    %select_n3A_92 = arith.select %lt3A_91, %add3A_90, %select_n3A_81 : vector<1024x128xi1>, vector<1024x128xf32>
    %jit3A_93 = arith.constant 8 : i32
    %broadcast_in_dim3A_94 = vector.broadcast %jit3A_93 : i32 to vector<1024x128xi32>
    %select_n3A_95 = arith.select %lt3A_91, %broadcast_in_dim3A_94, %select_n3A_84 : vector<1024x128xi1>, vector<1024x128xi32>
    %get3A_96 = arith.constant 0 : index
    %get3A_97 = arith.constant 1152 : index
    %get3A_98 = vector.load %arg2[%get3A_96, %get3A_97] : memref<8x6912xf32, #tpu.memory_space<vmem>>, vector<8x1152xf32>
    %dot_general3A_99 = arith.constant dense<0.000000e+00> : vector<1024x1152xf32>
    %dot_general3A_100 = tpu.matmul %get3A_1, %get3A_98, %dot_general3A_99 {dimension_numbers = #tpu.dot_dimension_numbers<[1], [0], [0], [1], [0, 0, 1, 1], [], []>, transpose_lhs_hint = false} : vector<1024x8xf32>, vector<8x1152xf32>, vector<1024x1152xf32> -> vector<1024x1152xf32>
    %slice3A_101 = vector.extract_strided_slice %dot_general3A_100 {offsets = [0, 0], sizes = [1024, 128], strides = [1, 1]} : vector<1024x1152xf32> to vector<1024x128xf32>
    %get3A_102 = arith.constant 0 : index
    %get3A_103 = arith.constant 1152 : index
    %get3A_104 = vector.load %arg3[%get3A_102, %get3A_103] : memref<1x6912xf32, #tpu.memory_space<vmem>>, vector<1x128xf32>
    %add3A_105 = vector.broadcast %get3A_104 : vector<1x128xf32> to vector<1024x128xf32>
    %add3A_106 = arith.addf %slice3A_101, %add3A_105 : vector<1024x128xf32>
    %lt3A_107 = arith.cmpf olt, %add3A_106, %select_n3A_92 : vector<1024x128xf32>
    %select_n3A_108 = arith.select %lt3A_107, %add3A_106, %select_n3A_92 : vector<1024x128xi1>, vector<1024x128xf32>
    %jit3A_109 = arith.constant 9 : i32
    %broadcast_in_dim3A_110 = vector.broadcast %jit3A_109 : i32 to vector<1024x128xi32>
    %select_n3A_111 = arith.select %lt3A_107, %broadcast_in_dim3A_110, %select_n3A_95 : vector<1024x128xi1>, vector<1024x128xi32>
    %slice3A_112 = vector.extract_strided_slice %dot_general3A_100 {offsets = [0, 128], sizes = [1024, 128], strides = [1, 1]} : vector<1024x1152xf32> to vector<1024x128xf32>
    %get3A_113 = arith.constant 0 : index
    %get3A_114 = arith.constant 1280 : index
    %get3A_115 = vector.load %arg3[%get3A_113, %get3A_114] : memref<1x6912xf32, #tpu.memory_space<vmem>>, vector<1x128xf32>
    %add3A_116 = vector.broadcast %get3A_115 : vector<1x128xf32> to vector<1024x128xf32>
    %add3A_117 = arith.addf %slice3A_112, %add3A_116 : vector<1024x128xf32>
    %lt3A_118 = arith.cmpf olt, %add3A_117, %select_n3A_108 : vector<1024x128xf32>
    %select_n3A_119 = arith.select %lt3A_118, %add3A_117, %select_n3A_108 : vector<1024x128xi1>, vector<1024x128xf32>
    %jit3A_120 = arith.constant 10 : i32
    %broadcast_in_dim3A_121 = vector.broadcast %jit3A_120 : i32 to vector<1024x128xi32>
    %select_n3A_122 = arith.select %lt3A_118, %broadcast_in_dim3A_121, %select_n3A_111 : vector<1024x128xi1>, vector<1024x128xi32>
    %slice3A_123 = vector.extract_strided_slice %dot_general3A_100 {offsets = [0, 256], sizes = [1024, 128], strides = [1, 1]} : vector<1024x1152xf32> to vector<1024x128xf32>
    %get3A_124 = arith.constant 0 : index
    %get3A_125 = arith.constant 1408 : index
    %get3A_126 = vector.load %arg3[%get3A_124, %get3A_125] : memref<1x6912xf32, #tpu.memory_space<vmem>>, vector<1x128xf32>
    %add3A_127 = vector.broadcast %get3A_126 : vector<1x128xf32> to vector<1024x128xf32>
    %add3A_128 = arith.addf %slice3A_123, %add3A_127 : vector<1024x128xf32>
    %lt3A_129 = arith.cmpf olt, %add3A_128, %select_n3A_119 : vector<1024x128xf32>
    %select_n3A_130 = arith.select %lt3A_129, %add3A_128, %select_n3A_119 : vector<1024x128xi1>, vector<1024x128xf32>
    %jit3A_131 = arith.constant 11 : i32
    %broadcast_in_dim3A_132 = vector.broadcast %jit3A_131 : i32 to vector<1024x128xi32>
    %select_n3A_133 = arith.select %lt3A_129, %broadcast_in_dim3A_132, %select_n3A_122 : vector<1024x128xi1>, vector<1024x128xi32>
    %slice3A_134 = vector.extract_strided_slice %dot_general3A_100 {offsets = [0, 384], sizes = [1024, 128], strides = [1, 1]} : vector<1024x1152xf32> to vector<1024x128xf32>
    %get3A_135 = arith.constant 0 : index
    %get3A_136 = arith.constant 1536 : index
    %get3A_137 = vector.load %arg3[%get3A_135, %get3A_136] : memref<1x6912xf32, #tpu.memory_space<vmem>>, vector<1x128xf32>
    %add3A_138 = vector.broadcast %get3A_137 : vector<1x128xf32> to vector<1024x128xf32>
    %add3A_139 = arith.addf %slice3A_134, %add3A_138 : vector<1024x128xf32>
    %lt3A_140 = arith.cmpf olt, %add3A_139, %select_n3A_130 : vector<1024x128xf32>
    %select_n3A_141 = arith.select %lt3A_140, %add3A_139, %select_n3A_130 : vector<1024x128xi1>, vector<1024x128xf32>
    %jit3A_142 = arith.constant 12 : i32
    %broadcast_in_dim3A_143 = vector.broadcast %jit3A_142 : i32 to vector<1024x128xi32>
    %select_n3A_144 = arith.select %lt3A_140, %broadcast_in_dim3A_143, %select_n3A_133 : vector<1024x128xi1>, vector<1024x128xi32>
    %slice3A_145 = vector.extract_strided_slice %dot_general3A_100 {offsets = [0, 512], sizes = [1024, 128], strides = [1, 1]} : vector<1024x1152xf32> to vector<1024x128xf32>
    %get3A_146 = arith.constant 0 : index
    %get3A_147 = arith.constant 1664 : index
    %get3A_148 = vector.load %arg3[%get3A_146, %get3A_147] : memref<1x6912xf32, #tpu.memory_space<vmem>>, vector<1x128xf32>
    %add3A_149 = vector.broadcast %get3A_148 : vector<1x128xf32> to vector<1024x128xf32>
    %add3A_150 = arith.addf %slice3A_145, %add3A_149 : vector<1024x128xf32>
    %lt3A_151 = arith.cmpf olt, %add3A_150, %select_n3A_141 : vector<1024x128xf32>
    %select_n3A_152 = arith.select %lt3A_151, %add3A_150, %select_n3A_141 : vector<1024x128xi1>, vector<1024x128xf32>
    %jit3A_153 = arith.constant 13 : i32
    %broadcast_in_dim3A_154 = vector.broadcast %jit3A_153 : i32 to vector<1024x128xi32>
    %select_n3A_155 = arith.select %lt3A_151, %broadcast_in_dim3A_154, %select_n3A_144 : vector<1024x128xi1>, vector<1024x128xi32>
    %slice3A_156 = vector.extract_strided_slice %dot_general3A_100 {offsets = [0, 640], sizes = [1024, 128], strides = [1, 1]} : vector<1024x1152xf32> to vector<1024x128xf32>
    %get3A_157 = arith.constant 0 : index
    %get3A_158 = arith.constant 1792 : index
    %get3A_159 = vector.load %arg3[%get3A_157, %get3A_158] : memref<1x6912xf32, #tpu.memory_space<vmem>>, vector<1x128xf32>
    %add3A_160 = vector.broadcast %get3A_159 : vector<1x128xf32> to vector<1024x128xf32>
    %add3A_161 = arith.addf %slice3A_156, %add3A_160 : vector<1024x128xf32>
    %lt3A_162 = arith.cmpf olt, %add3A_161, %select_n3A_152 : vector<1024x128xf32>
    %select_n3A_163 = arith.select %lt3A_162, %add3A_161, %select_n3A_152 : vector<1024x128xi1>, vector<1024x128xf32>
    %jit3A_164 = arith.constant 14 : i32
    %broadcast_in_dim3A_165 = vector.broadcast %jit3A_164 : i32 to vector<1024x128xi32>
    %select_n3A_166 = arith.select %lt3A_162, %broadcast_in_dim3A_165, %select_n3A_155 : vector<1024x128xi1>, vector<1024x128xi32>
    %slice3A_167 = vector.extract_strided_slice %dot_general3A_100 {offsets = [0, 768], sizes = [1024, 128], strides = [1, 1]} : vector<1024x1152xf32> to vector<1024x128xf32>
    %get3A_168 = arith.constant 0 : index
    %get3A_169 = arith.constant 1920 : index
    %get3A_170 = vector.load %arg3[%get3A_168, %get3A_169] : memref<1x6912xf32, #tpu.memory_space<vmem>>, vector<1x128xf32>
    %add3A_171 = vector.broadcast %get3A_170 : vector<1x128xf32> to vector<1024x128xf32>
    %add3A_172 = arith.addf %slice3A_167, %add3A_171 : vector<1024x128xf32>
    %lt3A_173 = arith.cmpf olt, %add3A_172, %select_n3A_163 : vector<1024x128xf32>
    %select_n3A_174 = arith.select %lt3A_173, %add3A_172, %select_n3A_163 : vector<1024x128xi1>, vector<1024x128xf32>
    %jit3A_175 = arith.constant 15 : i32
    %broadcast_in_dim3A_176 = vector.broadcast %jit3A_175 : i32 to vector<1024x128xi32>
    %select_n3A_177 = arith.select %lt3A_173, %broadcast_in_dim3A_176, %select_n3A_166 : vector<1024x128xi1>, vector<1024x128xi32>
    %slice3A_178 = vector.extract_strided_slice %dot_general3A_100 {offsets = [0, 896], sizes = [1024, 128], strides = [1, 1]} : vector<1024x1152xf32> to vector<1024x128xf32>
    %get3A_179 = arith.constant 0 : index
    %get3A_180 = arith.constant 2048 : index
    %get3A_181 = vector.load %arg3[%get3A_179, %get3A_180] : memref<1x6912xf32, #tpu.memory_space<vmem>>, vector<1x128xf32>
    %add3A_182 = vector.broadcast %get3A_181 : vector<1x128xf32> to vector<1024x128xf32>
    %add3A_183 = arith.addf %slice3A_178, %add3A_182 : vector<1024x128xf32>
    %lt3A_184 = arith.cmpf olt, %add3A_183, %select_n3A_174 : vector<1024x128xf32>
    %select_n3A_185 = arith.select %lt3A_184, %add3A_183, %select_n3A_174 : vector<1024x128xi1>, vector<1024x128xf32>
    %jit3A_186 = arith.constant 16 : i32
    %broadcast_in_dim3A_187 = vector.broadcast %jit3A_186 : i32 to vector<1024x128xi32>
    %select_n3A_188 = arith.select %lt3A_184, %broadcast_in_dim3A_187, %select_n3A_177 : vector<1024x128xi1>, vector<1024x128xi32>
    %slice3A_189 = vector.extract_strided_slice %dot_general3A_100 {offsets = [0, 1024], sizes = [1024, 128], strides = [1, 1]} : vector<1024x1152xf32> to vector<1024x128xf32>
    %get3A_190 = arith.constant 0 : index
    %get3A_191 = arith.constant 2176 : index
    %get3A_192 = vector.load %arg3[%get3A_190, %get3A_191] : memref<1x6912xf32, #tpu.memory_space<vmem>>, vector<1x128xf32>
    %add3A_193 = vector.broadcast %get3A_192 : vector<1x128xf32> to vector<1024x128xf32>
    %add3A_194 = arith.addf %slice3A_189, %add3A_193 : vector<1024x128xf32>
    %lt3A_195 = arith.cmpf olt, %add3A_194, %select_n3A_185 : vector<1024x128xf32>
    %select_n3A_196 = arith.select %lt3A_195, %add3A_194, %select_n3A_185 : vector<1024x128xi1>, vector<1024x128xf32>
    %jit3A_197 = arith.constant 17 : i32
    %broadcast_in_dim3A_198 = vector.broadcast %jit3A_197 : i32 to vector<1024x128xi32>
    %select_n3A_199 = arith.select %lt3A_195, %broadcast_in_dim3A_198, %select_n3A_188 : vector<1024x128xi1>, vector<1024x128xi32>
    %get3A_200 = arith.constant 0 : index
    %get3A_201 = arith.constant 2304 : index
    %get3A_202 = vector.load %arg2[%get3A_200, %get3A_201] : memref<8x6912xf32, #tpu.memory_space<vmem>>, vector<8x1152xf32>
    %dot_general3A_203 = arith.constant dense<0.000000e+00> : vector<1024x1152xf32>
    %dot_general3A_204 = tpu.matmul %get3A_1, %get3A_202, %dot_general3A_203 {dimension_numbers = #tpu.dot_dimension_numbers<[1], [0], [0], [1], [0, 0, 1, 1], [], []>, transpose_lhs_hint = false} : vector<1024x8xf32>, vector<8x1152xf32>, vector<1024x1152xf32> -> vector<1024x1152xf32>
    %slice3A_205 = vector.extract_strided_slice %dot_general3A_204 {offsets = [0, 0], sizes = [1024, 128], strides = [1, 1]} : vector<1024x1152xf32> to vector<1024x128xf32>
    %get3A_206 = arith.constant 0 : index
    %get3A_207 = arith.constant 2304 : index
    %get3A_208 = vector.load %arg3[%get3A_206, %get3A_207] : memref<1x6912xf32, #tpu.memory_space<vmem>>, vector<1x128xf32>
    %add3A_209 = vector.broadcast %get3A_208 : vector<1x128xf32> to vector<1024x128xf32>
    %add3A_210 = arith.addf %slice3A_205, %add3A_209 : vector<1024x128xf32>
    %lt3A_211 = arith.cmpf olt, %add3A_210, %select_n3A_196 : vector<1024x128xf32>
    %select_n3A_212 = arith.select %lt3A_211, %add3A_210, %select_n3A_196 : vector<1024x128xi1>, vector<1024x128xf32>
    %jit3A_213 = arith.constant 18 : i32
    %broadcast_in_dim3A_214 = vector.broadcast %jit3A_213 : i32 to vector<1024x128xi32>
    %select_n3A_215 = arith.select %lt3A_211, %broadcast_in_dim3A_214, %select_n3A_199 : vector<1024x128xi1>, vector<1024x128xi32>
    %slice3A_216 = vector.extract_strided_slice %dot_general3A_204 {offsets = [0, 128], sizes = [1024, 128], strides = [1, 1]} : vector<1024x1152xf32> to vector<1024x128xf32>
    %get3A_217 = arith.constant 0 : index
    %get3A_218 = arith.constant 2432 : index
    %get3A_219 = vector.load %arg3[%get3A_217, %get3A_218] : memref<1x6912xf32, #tpu.memory_space<vmem>>, vector<1x128xf32>
    %add3A_220 = vector.broadcast %get3A_219 : vector<1x128xf32> to vector<1024x128xf32>
    %add3A_221 = arith.addf %slice3A_216, %add3A_220 : vector<1024x128xf32>
    %lt3A_222 = arith.cmpf olt, %add3A_221, %select_n3A_212 : vector<1024x128xf32>
    %select_n3A_223 = arith.select %lt3A_222, %add3A_221, %select_n3A_212 : vector<1024x128xi1>, vector<1024x128xf32>
    %jit3A_224 = arith.constant 19 : i32
    %broadcast_in_dim3A_225 = vector.broadcast %jit3A_224 : i32 to vector<1024x128xi32>
    %select_n3A_226 = arith.select %lt3A_222, %broadcast_in_dim3A_225, %select_n3A_215 : vector<1024x128xi1>, vector<1024x128xi32>
    %slice3A_227 = vector.extract_strided_slice %dot_general3A_204 {offsets = [0, 256], sizes = [1024, 128], strides = [1, 1]} : vector<1024x1152xf32> to vector<1024x128xf32>
    %get3A_228 = arith.constant 0 : index
    %get3A_229 = arith.constant 2560 : index
    %get3A_230 = vector.load %arg3[%get3A_228, %get3A_229] : memref<1x6912xf32, #tpu.memory_space<vmem>>, vector<1x128xf32>
    %add3A_231 = vector.broadcast %get3A_230 : vector<1x128xf32> to vector<1024x128xf32>
    %add3A_232 = arith.addf %slice3A_227, %add3A_231 : vector<1024x128xf32>
    %lt3A_233 = arith.cmpf olt, %add3A_232, %select_n3A_223 : vector<1024x128xf32>
    %select_n3A_234 = arith.select %lt3A_233, %add3A_232, %select_n3A_223 : vector<1024x128xi1>, vector<1024x128xf32>
    %jit3A_235 = arith.constant 20 : i32
    %broadcast_in_dim3A_236 = vector.broadcast %jit3A_235 : i32 to vector<1024x128xi32>
    %select_n3A_237 = arith.select %lt3A_233, %broadcast_in_dim3A_236, %select_n3A_226 : vector<1024x128xi1>, vector<1024x128xi32>
    %slice3A_238 = vector.extract_strided_slice %dot_general3A_204 {offsets = [0, 384], sizes = [1024, 128], strides = [1, 1]} : vector<1024x1152xf32> to vector<1024x128xf32>
    %get3A_239 = arith.constant 0 : index
    %get3A_240 = arith.constant 2688 : index
    %get3A_241 = vector.load %arg3[%get3A_239, %get3A_240] : memref<1x6912xf32, #tpu.memory_space<vmem>>, vector<1x128xf32>
    %add3A_242 = vector.broadcast %get3A_241 : vector<1x128xf32> to vector<1024x128xf32>
    %add3A_243 = arith.addf %slice3A_238, %add3A_242 : vector<1024x128xf32>
    %lt3A_244 = arith.cmpf olt, %add3A_243, %select_n3A_234 : vector<1024x128xf32>
    %select_n3A_245 = arith.select %lt3A_244, %add3A_243, %select_n3A_234 : vector<1024x128xi1>, vector<1024x128xf32>
    %jit3A_246 = arith.constant 21 : i32
    %broadcast_in_dim3A_247 = vector.broadcast %jit3A_246 : i32 to vector<1024x128xi32>
    %select_n3A_248 = arith.select %lt3A_244, %broadcast_in_dim3A_247, %select_n3A_237 : vector<1024x128xi1>, vector<1024x128xi32>
    %slice3A_249 = vector.extract_strided_slice %dot_general3A_204 {offsets = [0, 512], sizes = [1024, 128], strides = [1, 1]} : vector<1024x1152xf32> to vector<1024x128xf32>
    %get3A_250 = arith.constant 0 : index
    %get3A_251 = arith.constant 2816 : index
    %get3A_252 = vector.load %arg3[%get3A_250, %get3A_251] : memref<1x6912xf32, #tpu.memory_space<vmem>>, vector<1x128xf32>
    %add3A_253 = vector.broadcast %get3A_252 : vector<1x128xf32> to vector<1024x128xf32>
    %add3A_254 = arith.addf %slice3A_249, %add3A_253 : vector<1024x128xf32>
    %lt3A_255 = arith.cmpf olt, %add3A_254, %select_n3A_245 : vector<1024x128xf32>
    %select_n3A_256 = arith.select %lt3A_255, %add3A_254, %select_n3A_245 : vector<1024x128xi1>, vector<1024x128xf32>
    %jit3A_257 = arith.constant 22 : i32
    %broadcast_in_dim3A_258 = vector.broadcast %jit3A_257 : i32 to vector<1024x128xi32>
    %select_n3A_259 = arith.select %lt3A_255, %broadcast_in_dim3A_258, %select_n3A_248 : vector<1024x128xi1>, vector<1024x128xi32>
    %slice3A_260 = vector.extract_strided_slice %dot_general3A_204 {offsets = [0, 640], sizes = [1024, 128], strides = [1, 1]} : vector<1024x1152xf32> to vector<1024x128xf32>
    %get3A_261 = arith.constant 0 : index
    %get3A_262 = arith.constant 2944 : index
    %get3A_263 = vector.load %arg3[%get3A_261, %get3A_262] : memref<1x6912xf32, #tpu.memory_space<vmem>>, vector<1x128xf32>
    %add3A_264 = vector.broadcast %get3A_263 : vector<1x128xf32> to vector<1024x128xf32>
    %add3A_265 = arith.addf %slice3A_260, %add3A_264 : vector<1024x128xf32>
    %lt3A_266 = arith.cmpf olt, %add3A_265, %select_n3A_256 : vector<1024x128xf32>
    %select_n3A_267 = arith.select %lt3A_266, %add3A_265, %select_n3A_256 : vector<1024x128xi1>, vector<1024x128xf32>
    %jit3A_268 = arith.constant 23 : i32
    %broadcast_in_dim3A_269 = vector.broadcast %jit3A_268 : i32 to vector<1024x128xi32>
    %select_n3A_270 = arith.select %lt3A_266, %broadcast_in_dim3A_269, %select_n3A_259 : vector<1024x128xi1>, vector<1024x128xi32>
    %slice3A_271 = vector.extract_strided_slice %dot_general3A_204 {offsets = [0, 768], sizes = [1024, 128], strides = [1, 1]} : vector<1024x1152xf32> to vector<1024x128xf32>
    %get3A_272 = arith.constant 0 : index
    %get3A_273 = arith.constant 3072 : index
    %get3A_274 = vector.load %arg3[%get3A_272, %get3A_273] : memref<1x6912xf32, #tpu.memory_space<vmem>>, vector<1x128xf32>
    %add3A_275 = vector.broadcast %get3A_274 : vector<1x128xf32> to vector<1024x128xf32>
    %add3A_276 = arith.addf %slice3A_271, %add3A_275 : vector<1024x128xf32>
    %lt3A_277 = arith.cmpf olt, %add3A_276, %select_n3A_267 : vector<1024x128xf32>
    %select_n3A_278 = arith.select %lt3A_277, %add3A_276, %select_n3A_267 : vector<1024x128xi1>, vector<1024x128xf32>
    %jit3A_279 = arith.constant 24 : i32
    %broadcast_in_dim3A_280 = vector.broadcast %jit3A_279 : i32 to vector<1024x128xi32>
    %select_n3A_281 = arith.select %lt3A_277, %broadcast_in_dim3A_280, %select_n3A_270 : vector<1024x128xi1>, vector<1024x128xi32>
    %slice3A_282 = vector.extract_strided_slice %dot_general3A_204 {offsets = [0, 896], sizes = [1024, 128], strides = [1, 1]} : vector<1024x1152xf32> to vector<1024x128xf32>
    %get3A_283 = arith.constant 0 : index
    %get3A_284 = arith.constant 3200 : index
    %get3A_285 = vector.load %arg3[%get3A_283, %get3A_284] : memref<1x6912xf32, #tpu.memory_space<vmem>>, vector<1x128xf32>
    %add3A_286 = vector.broadcast %get3A_285 : vector<1x128xf32> to vector<1024x128xf32>
    %add3A_287 = arith.addf %slice3A_282, %add3A_286 : vector<1024x128xf32>
    %lt3A_288 = arith.cmpf olt, %add3A_287, %select_n3A_278 : vector<1024x128xf32>
    %select_n3A_289 = arith.select %lt3A_288, %add3A_287, %select_n3A_278 : vector<1024x128xi1>, vector<1024x128xf32>
    %jit3A_290 = arith.constant 25 : i32
    %broadcast_in_dim3A_291 = vector.broadcast %jit3A_290 : i32 to vector<1024x128xi32>
    %select_n3A_292 = arith.select %lt3A_288, %broadcast_in_dim3A_291, %select_n3A_281 : vector<1024x128xi1>, vector<1024x128xi32>
    %slice3A_293 = vector.extract_strided_slice %dot_general3A_204 {offsets = [0, 1024], sizes = [1024, 128], strides = [1, 1]} : vector<1024x1152xf32> to vector<1024x128xf32>
    %get3A_294 = arith.constant 0 : index
    %get3A_295 = arith.constant 3328 : index
    %get3A_296 = vector.load %arg3[%get3A_294, %get3A_295] : memref<1x6912xf32, #tpu.memory_space<vmem>>, vector<1x128xf32>
    %add3A_297 = vector.broadcast %get3A_296 : vector<1x128xf32> to vector<1024x128xf32>
    %add3A_298 = arith.addf %slice3A_293, %add3A_297 : vector<1024x128xf32>
    %lt3A_299 = arith.cmpf olt, %add3A_298, %select_n3A_289 : vector<1024x128xf32>
    %select_n3A_300 = arith.select %lt3A_299, %add3A_298, %select_n3A_289 : vector<1024x128xi1>, vector<1024x128xf32>
    %jit3A_301 = arith.constant 26 : i32
    %broadcast_in_dim3A_302 = vector.broadcast %jit3A_301 : i32 to vector<1024x128xi32>
    %select_n3A_303 = arith.select %lt3A_299, %broadcast_in_dim3A_302, %select_n3A_292 : vector<1024x128xi1>, vector<1024x128xi32>
    %get3A_304 = arith.constant 0 : index
    %get3A_305 = arith.constant 3456 : index
    %get3A_306 = vector.load %arg2[%get3A_304, %get3A_305] : memref<8x6912xf32, #tpu.memory_space<vmem>>, vector<8x1152xf32>
    %dot_general3A_307 = arith.constant dense<0.000000e+00> : vector<1024x1152xf32>
    %dot_general3A_308 = tpu.matmul %get3A_1, %get3A_306, %dot_general3A_307 {dimension_numbers = #tpu.dot_dimension_numbers<[1], [0], [0], [1], [0, 0, 1, 1], [], []>, transpose_lhs_hint = false} : vector<1024x8xf32>, vector<8x1152xf32>, vector<1024x1152xf32> -> vector<1024x1152xf32>
    %slice3A_309 = vector.extract_strided_slice %dot_general3A_308 {offsets = [0, 0], sizes = [1024, 128], strides = [1, 1]} : vector<1024x1152xf32> to vector<1024x128xf32>
    %get3A_310 = arith.constant 0 : index
    %get3A_311 = arith.constant 3456 : index
    %get3A_312 = vector.load %arg3[%get3A_310, %get3A_311] : memref<1x6912xf32, #tpu.memory_space<vmem>>, vector<1x128xf32>
    %add3A_313 = vector.broadcast %get3A_312 : vector<1x128xf32> to vector<1024x128xf32>
    %add3A_314 = arith.addf %slice3A_309, %add3A_313 : vector<1024x128xf32>
    %lt3A_315 = arith.cmpf olt, %add3A_314, %select_n3A_300 : vector<1024x128xf32>
    %select_n3A_316 = arith.select %lt3A_315, %add3A_314, %select_n3A_300 : vector<1024x128xi1>, vector<1024x128xf32>
    %jit3A_317 = arith.constant 27 : i32
    %broadcast_in_dim3A_318 = vector.broadcast %jit3A_317 : i32 to vector<1024x128xi32>
    %select_n3A_319 = arith.select %lt3A_315, %broadcast_in_dim3A_318, %select_n3A_303 : vector<1024x128xi1>, vector<1024x128xi32>
    %slice3A_320 = vector.extract_strided_slice %dot_general3A_308 {offsets = [0, 128], sizes = [1024, 128], strides = [1, 1]} : vector<1024x1152xf32> to vector<1024x128xf32>
    %get3A_321 = arith.constant 0 : index
    %get3A_322 = arith.constant 3584 : index
    %get3A_323 = vector.load %arg3[%get3A_321, %get3A_322] : memref<1x6912xf32, #tpu.memory_space<vmem>>, vector<1x128xf32>
    %add3A_324 = vector.broadcast %get3A_323 : vector<1x128xf32> to vector<1024x128xf32>
    %add3A_325 = arith.addf %slice3A_320, %add3A_324 : vector<1024x128xf32>
    %lt3A_326 = arith.cmpf olt, %add3A_325, %select_n3A_316 : vector<1024x128xf32>
    %select_n3A_327 = arith.select %lt3A_326, %add3A_325, %select_n3A_316 : vector<1024x128xi1>, vector<1024x128xf32>
    %jit3A_328 = arith.constant 28 : i32
    %broadcast_in_dim3A_329 = vector.broadcast %jit3A_328 : i32 to vector<1024x128xi32>
    %select_n3A_330 = arith.select %lt3A_326, %broadcast_in_dim3A_329, %select_n3A_319 : vector<1024x128xi1>, vector<1024x128xi32>
    %slice3A_331 = vector.extract_strided_slice %dot_general3A_308 {offsets = [0, 256], sizes = [1024, 128], strides = [1, 1]} : vector<1024x1152xf32> to vector<1024x128xf32>
    %get3A_332 = arith.constant 0 : index
    %get3A_333 = arith.constant 3712 : index
    %get3A_334 = vector.load %arg3[%get3A_332, %get3A_333] : memref<1x6912xf32, #tpu.memory_space<vmem>>, vector<1x128xf32>
    %add3A_335 = vector.broadcast %get3A_334 : vector<1x128xf32> to vector<1024x128xf32>
    %add3A_336 = arith.addf %slice3A_331, %add3A_335 : vector<1024x128xf32>
    %lt3A_337 = arith.cmpf olt, %add3A_336, %select_n3A_327 : vector<1024x128xf32>
    %select_n3A_338 = arith.select %lt3A_337, %add3A_336, %select_n3A_327 : vector<1024x128xi1>, vector<1024x128xf32>
    %jit3A_339 = arith.constant 29 : i32
    %broadcast_in_dim3A_340 = vector.broadcast %jit3A_339 : i32 to vector<1024x128xi32>
    %select_n3A_341 = arith.select %lt3A_337, %broadcast_in_dim3A_340, %select_n3A_330 : vector<1024x128xi1>, vector<1024x128xi32>
    %slice3A_342 = vector.extract_strided_slice %dot_general3A_308 {offsets = [0, 384], sizes = [1024, 128], strides = [1, 1]} : vector<1024x1152xf32> to vector<1024x128xf32>
    %get3A_343 = arith.constant 0 : index
    %get3A_344 = arith.constant 3840 : index
    %get3A_345 = vector.load %arg3[%get3A_343, %get3A_344] : memref<1x6912xf32, #tpu.memory_space<vmem>>, vector<1x128xf32>
    %add3A_346 = vector.broadcast %get3A_345 : vector<1x128xf32> to vector<1024x128xf32>
    %add3A_347 = arith.addf %slice3A_342, %add3A_346 : vector<1024x128xf32>
    %lt3A_348 = arith.cmpf olt, %add3A_347, %select_n3A_338 : vector<1024x128xf32>
    %select_n3A_349 = arith.select %lt3A_348, %add3A_347, %select_n3A_338 : vector<1024x128xi1>, vector<1024x128xf32>
    %jit3A_350 = arith.constant 30 : i32
    %broadcast_in_dim3A_351 = vector.broadcast %jit3A_350 : i32 to vector<1024x128xi32>
    %select_n3A_352 = arith.select %lt3A_348, %broadcast_in_dim3A_351, %select_n3A_341 : vector<1024x128xi1>, vector<1024x128xi32>
    %slice3A_353 = vector.extract_strided_slice %dot_general3A_308 {offsets = [0, 512], sizes = [1024, 128], strides = [1, 1]} : vector<1024x1152xf32> to vector<1024x128xf32>
    %get3A_354 = arith.constant 0 : index
    %get3A_355 = arith.constant 3968 : index
    %get3A_356 = vector.load %arg3[%get3A_354, %get3A_355] : memref<1x6912xf32, #tpu.memory_space<vmem>>, vector<1x128xf32>
    %add3A_357 = vector.broadcast %get3A_356 : vector<1x128xf32> to vector<1024x128xf32>
    %add3A_358 = arith.addf %slice3A_353, %add3A_357 : vector<1024x128xf32>
    %lt3A_359 = arith.cmpf olt, %add3A_358, %select_n3A_349 : vector<1024x128xf32>
    %select_n3A_360 = arith.select %lt3A_359, %add3A_358, %select_n3A_349 : vector<1024x128xi1>, vector<1024x128xf32>
    %jit3A_361 = arith.constant 31 : i32
    %broadcast_in_dim3A_362 = vector.broadcast %jit3A_361 : i32 to vector<1024x128xi32>
    %select_n3A_363 = arith.select %lt3A_359, %broadcast_in_dim3A_362, %select_n3A_352 : vector<1024x128xi1>, vector<1024x128xi32>
    %slice3A_364 = vector.extract_strided_slice %dot_general3A_308 {offsets = [0, 640], sizes = [1024, 128], strides = [1, 1]} : vector<1024x1152xf32> to vector<1024x128xf32>
    %get3A_365 = arith.constant 0 : index
    %get3A_366 = arith.constant 4096 : index
    %get3A_367 = vector.load %arg3[%get3A_365, %get3A_366] : memref<1x6912xf32, #tpu.memory_space<vmem>>, vector<1x128xf32>
    %add3A_368 = vector.broadcast %get3A_367 : vector<1x128xf32> to vector<1024x128xf32>
    %add3A_369 = arith.addf %slice3A_364, %add3A_368 : vector<1024x128xf32>
    %lt3A_370 = arith.cmpf olt, %add3A_369, %select_n3A_360 : vector<1024x128xf32>
    %select_n3A_371 = arith.select %lt3A_370, %add3A_369, %select_n3A_360 : vector<1024x128xi1>, vector<1024x128xf32>
    %jit3A_372 = arith.constant 32 : i32
    %broadcast_in_dim3A_373 = vector.broadcast %jit3A_372 : i32 to vector<1024x128xi32>
    %select_n3A_374 = arith.select %lt3A_370, %broadcast_in_dim3A_373, %select_n3A_363 : vector<1024x128xi1>, vector<1024x128xi32>
    %slice3A_375 = vector.extract_strided_slice %dot_general3A_308 {offsets = [0, 768], sizes = [1024, 128], strides = [1, 1]} : vector<1024x1152xf32> to vector<1024x128xf32>
    %get3A_376 = arith.constant 0 : index
    %get3A_377 = arith.constant 4224 : index
    %get3A_378 = vector.load %arg3[%get3A_376, %get3A_377] : memref<1x6912xf32, #tpu.memory_space<vmem>>, vector<1x128xf32>
    %add3A_379 = vector.broadcast %get3A_378 : vector<1x128xf32> to vector<1024x128xf32>
    %add3A_380 = arith.addf %slice3A_375, %add3A_379 : vector<1024x128xf32>
    %lt3A_381 = arith.cmpf olt, %add3A_380, %select_n3A_371 : vector<1024x128xf32>
    %select_n3A_382 = arith.select %lt3A_381, %add3A_380, %select_n3A_371 : vector<1024x128xi1>, vector<1024x128xf32>
    %jit3A_383 = arith.constant 33 : i32
    %broadcast_in_dim3A_384 = vector.broadcast %jit3A_383 : i32 to vector<1024x128xi32>
    %select_n3A_385 = arith.select %lt3A_381, %broadcast_in_dim3A_384, %select_n3A_374 : vector<1024x128xi1>, vector<1024x128xi32>
    %slice3A_386 = vector.extract_strided_slice %dot_general3A_308 {offsets = [0, 896], sizes = [1024, 128], strides = [1, 1]} : vector<1024x1152xf32> to vector<1024x128xf32>
    %get3A_387 = arith.constant 0 : index
    %get3A_388 = arith.constant 4352 : index
    %get3A_389 = vector.load %arg3[%get3A_387, %get3A_388] : memref<1x6912xf32, #tpu.memory_space<vmem>>, vector<1x128xf32>
    %add3A_390 = vector.broadcast %get3A_389 : vector<1x128xf32> to vector<1024x128xf32>
    %add3A_391 = arith.addf %slice3A_386, %add3A_390 : vector<1024x128xf32>
    %lt3A_392 = arith.cmpf olt, %add3A_391, %select_n3A_382 : vector<1024x128xf32>
    %select_n3A_393 = arith.select %lt3A_392, %add3A_391, %select_n3A_382 : vector<1024x128xi1>, vector<1024x128xf32>
    %jit3A_394 = arith.constant 34 : i32
    %broadcast_in_dim3A_395 = vector.broadcast %jit3A_394 : i32 to vector<1024x128xi32>
    %select_n3A_396 = arith.select %lt3A_392, %broadcast_in_dim3A_395, %select_n3A_385 : vector<1024x128xi1>, vector<1024x128xi32>
    %slice3A_397 = vector.extract_strided_slice %dot_general3A_308 {offsets = [0, 1024], sizes = [1024, 128], strides = [1, 1]} : vector<1024x1152xf32> to vector<1024x128xf32>
    %get3A_398 = arith.constant 0 : index
    %get3A_399 = arith.constant 4480 : index
    %get3A_400 = vector.load %arg3[%get3A_398, %get3A_399] : memref<1x6912xf32, #tpu.memory_space<vmem>>, vector<1x128xf32>
    %add3A_401 = vector.broadcast %get3A_400 : vector<1x128xf32> to vector<1024x128xf32>
    %add3A_402 = arith.addf %slice3A_397, %add3A_401 : vector<1024x128xf32>
    %lt3A_403 = arith.cmpf olt, %add3A_402, %select_n3A_393 : vector<1024x128xf32>
    %select_n3A_404 = arith.select %lt3A_403, %add3A_402, %select_n3A_393 : vector<1024x128xi1>, vector<1024x128xf32>
    %jit3A_405 = arith.constant 35 : i32
    %broadcast_in_dim3A_406 = vector.broadcast %jit3A_405 : i32 to vector<1024x128xi32>
    %select_n3A_407 = arith.select %lt3A_403, %broadcast_in_dim3A_406, %select_n3A_396 : vector<1024x128xi1>, vector<1024x128xi32>
    %get3A_408 = arith.constant 0 : index
    %get3A_409 = arith.constant 4608 : index
    %get3A_410 = vector.load %arg2[%get3A_408, %get3A_409] : memref<8x6912xf32, #tpu.memory_space<vmem>>, vector<8x1152xf32>
    %dot_general3A_411 = arith.constant dense<0.000000e+00> : vector<1024x1152xf32>
    %dot_general3A_412 = tpu.matmul %get3A_1, %get3A_410, %dot_general3A_411 {dimension_numbers = #tpu.dot_dimension_numbers<[1], [0], [0], [1], [0, 0, 1, 1], [], []>, transpose_lhs_hint = false} : vector<1024x8xf32>, vector<8x1152xf32>, vector<1024x1152xf32> -> vector<1024x1152xf32>
    %slice3A_413 = vector.extract_strided_slice %dot_general3A_412 {offsets = [0, 0], sizes = [1024, 128], strides = [1, 1]} : vector<1024x1152xf32> to vector<1024x128xf32>
    %get3A_414 = arith.constant 0 : index
    %get3A_415 = arith.constant 4608 : index
    %get3A_416 = vector.load %arg3[%get3A_414, %get3A_415] : memref<1x6912xf32, #tpu.memory_space<vmem>>, vector<1x128xf32>
    %add3A_417 = vector.broadcast %get3A_416 : vector<1x128xf32> to vector<1024x128xf32>
    %add3A_418 = arith.addf %slice3A_413, %add3A_417 : vector<1024x128xf32>
    %lt3A_419 = arith.cmpf olt, %add3A_418, %select_n3A_404 : vector<1024x128xf32>
    %select_n3A_420 = arith.select %lt3A_419, %add3A_418, %select_n3A_404 : vector<1024x128xi1>, vector<1024x128xf32>
    %jit3A_421 = arith.constant 36 : i32
    %broadcast_in_dim3A_422 = vector.broadcast %jit3A_421 : i32 to vector<1024x128xi32>
    %select_n3A_423 = arith.select %lt3A_419, %broadcast_in_dim3A_422, %select_n3A_407 : vector<1024x128xi1>, vector<1024x128xi32>
    %slice3A_424 = vector.extract_strided_slice %dot_general3A_412 {offsets = [0, 128], sizes = [1024, 128], strides = [1, 1]} : vector<1024x1152xf32> to vector<1024x128xf32>
    %get3A_425 = arith.constant 0 : index
    %get3A_426 = arith.constant 4736 : index
    %get3A_427 = vector.load %arg3[%get3A_425, %get3A_426] : memref<1x6912xf32, #tpu.memory_space<vmem>>, vector<1x128xf32>
    %add3A_428 = vector.broadcast %get3A_427 : vector<1x128xf32> to vector<1024x128xf32>
    %add3A_429 = arith.addf %slice3A_424, %add3A_428 : vector<1024x128xf32>
    %lt3A_430 = arith.cmpf olt, %add3A_429, %select_n3A_420 : vector<1024x128xf32>
    %select_n3A_431 = arith.select %lt3A_430, %add3A_429, %select_n3A_420 : vector<1024x128xi1>, vector<1024x128xf32>
    %jit3A_432 = arith.constant 37 : i32
    %broadcast_in_dim3A_433 = vector.broadcast %jit3A_432 : i32 to vector<1024x128xi32>
    %select_n3A_434 = arith.select %lt3A_430, %broadcast_in_dim3A_433, %select_n3A_423 : vector<1024x128xi1>, vector<1024x128xi32>
    %slice3A_435 = vector.extract_strided_slice %dot_general3A_412 {offsets = [0, 256], sizes = [1024, 128], strides = [1, 1]} : vector<1024x1152xf32> to vector<1024x128xf32>
    %get3A_436 = arith.constant 0 : index
    %get3A_437 = arith.constant 4864 : index
    %get3A_438 = vector.load %arg3[%get3A_436, %get3A_437] : memref<1x6912xf32, #tpu.memory_space<vmem>>, vector<1x128xf32>
    %add3A_439 = vector.broadcast %get3A_438 : vector<1x128xf32> to vector<1024x128xf32>
    %add3A_440 = arith.addf %slice3A_435, %add3A_439 : vector<1024x128xf32>
    %lt3A_441 = arith.cmpf olt, %add3A_440, %select_n3A_431 : vector<1024x128xf32>
    %select_n3A_442 = arith.select %lt3A_441, %add3A_440, %select_n3A_431 : vector<1024x128xi1>, vector<1024x128xf32>
    %jit3A_443 = arith.constant 38 : i32
    %broadcast_in_dim3A_444 = vector.broadcast %jit3A_443 : i32 to vector<1024x128xi32>
    %select_n3A_445 = arith.select %lt3A_441, %broadcast_in_dim3A_444, %select_n3A_434 : vector<1024x128xi1>, vector<1024x128xi32>
    %slice3A_446 = vector.extract_strided_slice %dot_general3A_412 {offsets = [0, 384], sizes = [1024, 128], strides = [1, 1]} : vector<1024x1152xf32> to vector<1024x128xf32>
    %get3A_447 = arith.constant 0 : index
    %get3A_448 = arith.constant 4992 : index
    %get3A_449 = vector.load %arg3[%get3A_447, %get3A_448] : memref<1x6912xf32, #tpu.memory_space<vmem>>, vector<1x128xf32>
    %add3A_450 = vector.broadcast %get3A_449 : vector<1x128xf32> to vector<1024x128xf32>
    %add3A_451 = arith.addf %slice3A_446, %add3A_450 : vector<1024x128xf32>
    %lt3A_452 = arith.cmpf olt, %add3A_451, %select_n3A_442 : vector<1024x128xf32>
    %select_n3A_453 = arith.select %lt3A_452, %add3A_451, %select_n3A_442 : vector<1024x128xi1>, vector<1024x128xf32>
    %jit3A_454 = arith.constant 39 : i32
    %broadcast_in_dim3A_455 = vector.broadcast %jit3A_454 : i32 to vector<1024x128xi32>
    %select_n3A_456 = arith.select %lt3A_452, %broadcast_in_dim3A_455, %select_n3A_445 : vector<1024x128xi1>, vector<1024x128xi32>
    %slice3A_457 = vector.extract_strided_slice %dot_general3A_412 {offsets = [0, 512], sizes = [1024, 128], strides = [1, 1]} : vector<1024x1152xf32> to vector<1024x128xf32>
    %get3A_458 = arith.constant 0 : index
    %get3A_459 = arith.constant 5120 : index
    %get3A_460 = vector.load %arg3[%get3A_458, %get3A_459] : memref<1x6912xf32, #tpu.memory_space<vmem>>, vector<1x128xf32>
    %add3A_461 = vector.broadcast %get3A_460 : vector<1x128xf32> to vector<1024x128xf32>
    %add3A_462 = arith.addf %slice3A_457, %add3A_461 : vector<1024x128xf32>
    %lt3A_463 = arith.cmpf olt, %add3A_462, %select_n3A_453 : vector<1024x128xf32>
    %select_n3A_464 = arith.select %lt3A_463, %add3A_462, %select_n3A_453 : vector<1024x128xi1>, vector<1024x128xf32>
    %jit3A_465 = arith.constant 40 : i32
    %broadcast_in_dim3A_466 = vector.broadcast %jit3A_465 : i32 to vector<1024x128xi32>
    %select_n3A_467 = arith.select %lt3A_463, %broadcast_in_dim3A_466, %select_n3A_456 : vector<1024x128xi1>, vector<1024x128xi32>
    %slice3A_468 = vector.extract_strided_slice %dot_general3A_412 {offsets = [0, 640], sizes = [1024, 128], strides = [1, 1]} : vector<1024x1152xf32> to vector<1024x128xf32>
    %get3A_469 = arith.constant 0 : index
    %get3A_470 = arith.constant 5248 : index
    %get3A_471 = vector.load %arg3[%get3A_469, %get3A_470] : memref<1x6912xf32, #tpu.memory_space<vmem>>, vector<1x128xf32>
    %add3A_472 = vector.broadcast %get3A_471 : vector<1x128xf32> to vector<1024x128xf32>
    %add3A_473 = arith.addf %slice3A_468, %add3A_472 : vector<1024x128xf32>
    %lt3A_474 = arith.cmpf olt, %add3A_473, %select_n3A_464 : vector<1024x128xf32>
    %select_n3A_475 = arith.select %lt3A_474, %add3A_473, %select_n3A_464 : vector<1024x128xi1>, vector<1024x128xf32>
    %jit3A_476 = arith.constant 41 : i32
    %broadcast_in_dim3A_477 = vector.broadcast %jit3A_476 : i32 to vector<1024x128xi32>
    %select_n3A_478 = arith.select %lt3A_474, %broadcast_in_dim3A_477, %select_n3A_467 : vector<1024x128xi1>, vector<1024x128xi32>
    %slice3A_479 = vector.extract_strided_slice %dot_general3A_412 {offsets = [0, 768], sizes = [1024, 128], strides = [1, 1]} : vector<1024x1152xf32> to vector<1024x128xf32>
    %get3A_480 = arith.constant 0 : index
    %get3A_481 = arith.constant 5376 : index
    %get3A_482 = vector.load %arg3[%get3A_480, %get3A_481] : memref<1x6912xf32, #tpu.memory_space<vmem>>, vector<1x128xf32>
    %add3A_483 = vector.broadcast %get3A_482 : vector<1x128xf32> to vector<1024x128xf32>
    %add3A_484 = arith.addf %slice3A_479, %add3A_483 : vector<1024x128xf32>
    %lt3A_485 = arith.cmpf olt, %add3A_484, %select_n3A_475 : vector<1024x128xf32>
    %select_n3A_486 = arith.select %lt3A_485, %add3A_484, %select_n3A_475 : vector<1024x128xi1>, vector<1024x128xf32>
    %jit3A_487 = arith.constant 42 : i32
    %broadcast_in_dim3A_488 = vector.broadcast %jit3A_487 : i32 to vector<1024x128xi32>
    %select_n3A_489 = arith.select %lt3A_485, %broadcast_in_dim3A_488, %select_n3A_478 : vector<1024x128xi1>, vector<1024x128xi32>
    %slice3A_490 = vector.extract_strided_slice %dot_general3A_412 {offsets = [0, 896], sizes = [1024, 128], strides = [1, 1]} : vector<1024x1152xf32> to vector<1024x128xf32>
    %get3A_491 = arith.constant 0 : index
    %get3A_492 = arith.constant 5504 : index
    %get3A_493 = vector.load %arg3[%get3A_491, %get3A_492] : memref<1x6912xf32, #tpu.memory_space<vmem>>, vector<1x128xf32>
    %add3A_494 = vector.broadcast %get3A_493 : vector<1x128xf32> to vector<1024x128xf32>
    %add3A_495 = arith.addf %slice3A_490, %add3A_494 : vector<1024x128xf32>
    %lt3A_496 = arith.cmpf olt, %add3A_495, %select_n3A_486 : vector<1024x128xf32>
    %select_n3A_497 = arith.select %lt3A_496, %add3A_495, %select_n3A_486 : vector<1024x128xi1>, vector<1024x128xf32>
    %jit3A_498 = arith.constant 43 : i32
    %broadcast_in_dim3A_499 = vector.broadcast %jit3A_498 : i32 to vector<1024x128xi32>
    %select_n3A_500 = arith.select %lt3A_496, %broadcast_in_dim3A_499, %select_n3A_489 : vector<1024x128xi1>, vector<1024x128xi32>
    %slice3A_501 = vector.extract_strided_slice %dot_general3A_412 {offsets = [0, 1024], sizes = [1024, 128], strides = [1, 1]} : vector<1024x1152xf32> to vector<1024x128xf32>
    %get3A_502 = arith.constant 0 : index
    %get3A_503 = arith.constant 5632 : index
    %get3A_504 = vector.load %arg3[%get3A_502, %get3A_503] : memref<1x6912xf32, #tpu.memory_space<vmem>>, vector<1x128xf32>
    %add3A_505 = vector.broadcast %get3A_504 : vector<1x128xf32> to vector<1024x128xf32>
    %add3A_506 = arith.addf %slice3A_501, %add3A_505 : vector<1024x128xf32>
    %lt3A_507 = arith.cmpf olt, %add3A_506, %select_n3A_497 : vector<1024x128xf32>
    %select_n3A_508 = arith.select %lt3A_507, %add3A_506, %select_n3A_497 : vector<1024x128xi1>, vector<1024x128xf32>
    %jit3A_509 = arith.constant 44 : i32
    %broadcast_in_dim3A_510 = vector.broadcast %jit3A_509 : i32 to vector<1024x128xi32>
    %select_n3A_511 = arith.select %lt3A_507, %broadcast_in_dim3A_510, %select_n3A_500 : vector<1024x128xi1>, vector<1024x128xi32>
    %get3A_512 = arith.constant 0 : index
    %get3A_513 = arith.constant 5760 : index
    %get3A_514 = vector.load %arg2[%get3A_512, %get3A_513] : memref<8x6912xf32, #tpu.memory_space<vmem>>, vector<8x1152xf32>
    %dot_general3A_515 = arith.constant dense<0.000000e+00> : vector<1024x1152xf32>
    %dot_general3A_516 = tpu.matmul %get3A_1, %get3A_514, %dot_general3A_515 {dimension_numbers = #tpu.dot_dimension_numbers<[1], [0], [0], [1], [0, 0, 1, 1], [], []>, transpose_lhs_hint = false} : vector<1024x8xf32>, vector<8x1152xf32>, vector<1024x1152xf32> -> vector<1024x1152xf32>
    %slice3A_517 = vector.extract_strided_slice %dot_general3A_516 {offsets = [0, 0], sizes = [1024, 128], strides = [1, 1]} : vector<1024x1152xf32> to vector<1024x128xf32>
    %get3A_518 = arith.constant 0 : index
    %get3A_519 = arith.constant 5760 : index
    %get3A_520 = vector.load %arg3[%get3A_518, %get3A_519] : memref<1x6912xf32, #tpu.memory_space<vmem>>, vector<1x128xf32>
    %add3A_521 = vector.broadcast %get3A_520 : vector<1x128xf32> to vector<1024x128xf32>
    %add3A_522 = arith.addf %slice3A_517, %add3A_521 : vector<1024x128xf32>
    %lt3A_523 = arith.cmpf olt, %add3A_522, %select_n3A_508 : vector<1024x128xf32>
    %select_n3A_524 = arith.select %lt3A_523, %add3A_522, %select_n3A_508 : vector<1024x128xi1>, vector<1024x128xf32>
    %jit3A_525 = arith.constant 45 : i32
    %broadcast_in_dim3A_526 = vector.broadcast %jit3A_525 : i32 to vector<1024x128xi32>
    %select_n3A_527 = arith.select %lt3A_523, %broadcast_in_dim3A_526, %select_n3A_511 : vector<1024x128xi1>, vector<1024x128xi32>
    %slice3A_528 = vector.extract_strided_slice %dot_general3A_516 {offsets = [0, 128], sizes = [1024, 128], strides = [1, 1]} : vector<1024x1152xf32> to vector<1024x128xf32>
    %get3A_529 = arith.constant 0 : index
    %get3A_530 = arith.constant 5888 : index
    %get3A_531 = vector.load %arg3[%get3A_529, %get3A_530] : memref<1x6912xf32, #tpu.memory_space<vmem>>, vector<1x128xf32>
    %add3A_532 = vector.broadcast %get3A_531 : vector<1x128xf32> to vector<1024x128xf32>
    %add3A_533 = arith.addf %slice3A_528, %add3A_532 : vector<1024x128xf32>
    %lt3A_534 = arith.cmpf olt, %add3A_533, %select_n3A_524 : vector<1024x128xf32>
    %select_n3A_535 = arith.select %lt3A_534, %add3A_533, %select_n3A_524 : vector<1024x128xi1>, vector<1024x128xf32>
    %jit3A_536 = arith.constant 46 : i32
    %broadcast_in_dim3A_537 = vector.broadcast %jit3A_536 : i32 to vector<1024x128xi32>
    %select_n3A_538 = arith.select %lt3A_534, %broadcast_in_dim3A_537, %select_n3A_527 : vector<1024x128xi1>, vector<1024x128xi32>
    %slice3A_539 = vector.extract_strided_slice %dot_general3A_516 {offsets = [0, 256], sizes = [1024, 128], strides = [1, 1]} : vector<1024x1152xf32> to vector<1024x128xf32>
    %get3A_540 = arith.constant 0 : index
    %get3A_541 = arith.constant 6016 : index
    %get3A_542 = vector.load %arg3[%get3A_540, %get3A_541] : memref<1x6912xf32, #tpu.memory_space<vmem>>, vector<1x128xf32>
    %add3A_543 = vector.broadcast %get3A_542 : vector<1x128xf32> to vector<1024x128xf32>
    %add3A_544 = arith.addf %slice3A_539, %add3A_543 : vector<1024x128xf32>
    %lt3A_545 = arith.cmpf olt, %add3A_544, %select_n3A_535 : vector<1024x128xf32>
    %select_n3A_546 = arith.select %lt3A_545, %add3A_544, %select_n3A_535 : vector<1024x128xi1>, vector<1024x128xf32>
    %jit3A_547 = arith.constant 47 : i32
    %broadcast_in_dim3A_548 = vector.broadcast %jit3A_547 : i32 to vector<1024x128xi32>
    %select_n3A_549 = arith.select %lt3A_545, %broadcast_in_dim3A_548, %select_n3A_538 : vector<1024x128xi1>, vector<1024x128xi32>
    %slice3A_550 = vector.extract_strided_slice %dot_general3A_516 {offsets = [0, 384], sizes = [1024, 128], strides = [1, 1]} : vector<1024x1152xf32> to vector<1024x128xf32>
    %get3A_551 = arith.constant 0 : index
    %get3A_552 = arith.constant 6144 : index
    %get3A_553 = vector.load %arg3[%get3A_551, %get3A_552] : memref<1x6912xf32, #tpu.memory_space<vmem>>, vector<1x128xf32>
    %add3A_554 = vector.broadcast %get3A_553 : vector<1x128xf32> to vector<1024x128xf32>
    %add3A_555 = arith.addf %slice3A_550, %add3A_554 : vector<1024x128xf32>
    %lt3A_556 = arith.cmpf olt, %add3A_555, %select_n3A_546 : vector<1024x128xf32>
    %select_n3A_557 = arith.select %lt3A_556, %add3A_555, %select_n3A_546 : vector<1024x128xi1>, vector<1024x128xf32>
    %jit3A_558 = arith.constant 48 : i32
    %broadcast_in_dim3A_559 = vector.broadcast %jit3A_558 : i32 to vector<1024x128xi32>
    %select_n3A_560 = arith.select %lt3A_556, %broadcast_in_dim3A_559, %select_n3A_549 : vector<1024x128xi1>, vector<1024x128xi32>
    %slice3A_561 = vector.extract_strided_slice %dot_general3A_516 {offsets = [0, 512], sizes = [1024, 128], strides = [1, 1]} : vector<1024x1152xf32> to vector<1024x128xf32>
    %get3A_562 = arith.constant 0 : index
    %get3A_563 = arith.constant 6272 : index
    %get3A_564 = vector.load %arg3[%get3A_562, %get3A_563] : memref<1x6912xf32, #tpu.memory_space<vmem>>, vector<1x128xf32>
    %add3A_565 = vector.broadcast %get3A_564 : vector<1x128xf32> to vector<1024x128xf32>
    %add3A_566 = arith.addf %slice3A_561, %add3A_565 : vector<1024x128xf32>
    %lt3A_567 = arith.cmpf olt, %add3A_566, %select_n3A_557 : vector<1024x128xf32>
    %select_n3A_568 = arith.select %lt3A_567, %add3A_566, %select_n3A_557 : vector<1024x128xi1>, vector<1024x128xf32>
    %jit3A_569 = arith.constant 49 : i32
    %broadcast_in_dim3A_570 = vector.broadcast %jit3A_569 : i32 to vector<1024x128xi32>
    %select_n3A_571 = arith.select %lt3A_567, %broadcast_in_dim3A_570, %select_n3A_560 : vector<1024x128xi1>, vector<1024x128xi32>
    %slice3A_572 = vector.extract_strided_slice %dot_general3A_516 {offsets = [0, 640], sizes = [1024, 128], strides = [1, 1]} : vector<1024x1152xf32> to vector<1024x128xf32>
    %get3A_573 = arith.constant 0 : index
    %get3A_574 = arith.constant 6400 : index
    %get3A_575 = vector.load %arg3[%get3A_573, %get3A_574] : memref<1x6912xf32, #tpu.memory_space<vmem>>, vector<1x128xf32>
    %add3A_576 = vector.broadcast %get3A_575 : vector<1x128xf32> to vector<1024x128xf32>
    %add3A_577 = arith.addf %slice3A_572, %add3A_576 : vector<1024x128xf32>
    %lt3A_578 = arith.cmpf olt, %add3A_577, %select_n3A_568 : vector<1024x128xf32>
    %select_n3A_579 = arith.select %lt3A_578, %add3A_577, %select_n3A_568 : vector<1024x128xi1>, vector<1024x128xf32>
    %jit3A_580 = arith.constant 50 : i32
    %broadcast_in_dim3A_581 = vector.broadcast %jit3A_580 : i32 to vector<1024x128xi32>
    %select_n3A_582 = arith.select %lt3A_578, %broadcast_in_dim3A_581, %select_n3A_571 : vector<1024x128xi1>, vector<1024x128xi32>
    %slice3A_583 = vector.extract_strided_slice %dot_general3A_516 {offsets = [0, 768], sizes = [1024, 128], strides = [1, 1]} : vector<1024x1152xf32> to vector<1024x128xf32>
    %get3A_584 = arith.constant 0 : index
    %get3A_585 = arith.constant 6528 : index
    %get3A_586 = vector.load %arg3[%get3A_584, %get3A_585] : memref<1x6912xf32, #tpu.memory_space<vmem>>, vector<1x128xf32>
    %add3A_587 = vector.broadcast %get3A_586 : vector<1x128xf32> to vector<1024x128xf32>
    %add3A_588 = arith.addf %slice3A_583, %add3A_587 : vector<1024x128xf32>
    %lt3A_589 = arith.cmpf olt, %add3A_588, %select_n3A_579 : vector<1024x128xf32>
    %select_n3A_590 = arith.select %lt3A_589, %add3A_588, %select_n3A_579 : vector<1024x128xi1>, vector<1024x128xf32>
    %jit3A_591 = arith.constant 51 : i32
    %broadcast_in_dim3A_592 = vector.broadcast %jit3A_591 : i32 to vector<1024x128xi32>
    %select_n3A_593 = arith.select %lt3A_589, %broadcast_in_dim3A_592, %select_n3A_582 : vector<1024x128xi1>, vector<1024x128xi32>
    %slice3A_594 = vector.extract_strided_slice %dot_general3A_516 {offsets = [0, 896], sizes = [1024, 128], strides = [1, 1]} : vector<1024x1152xf32> to vector<1024x128xf32>
    %get3A_595 = arith.constant 0 : index
    %get3A_596 = arith.constant 6656 : index
    %get3A_597 = vector.load %arg3[%get3A_595, %get3A_596] : memref<1x6912xf32, #tpu.memory_space<vmem>>, vector<1x128xf32>
    %add3A_598 = vector.broadcast %get3A_597 : vector<1x128xf32> to vector<1024x128xf32>
    %add3A_599 = arith.addf %slice3A_594, %add3A_598 : vector<1024x128xf32>
    %lt3A_600 = arith.cmpf olt, %add3A_599, %select_n3A_590 : vector<1024x128xf32>
    %select_n3A_601 = arith.select %lt3A_600, %add3A_599, %select_n3A_590 : vector<1024x128xi1>, vector<1024x128xf32>
    %jit3A_602 = arith.constant 52 : i32
    %broadcast_in_dim3A_603 = vector.broadcast %jit3A_602 : i32 to vector<1024x128xi32>
    %select_n3A_604 = arith.select %lt3A_600, %broadcast_in_dim3A_603, %select_n3A_593 : vector<1024x128xi1>, vector<1024x128xi32>
    %slice3A_605 = vector.extract_strided_slice %dot_general3A_516 {offsets = [0, 1024], sizes = [1024, 128], strides = [1, 1]} : vector<1024x1152xf32> to vector<1024x128xf32>
    %get3A_606 = arith.constant 0 : index
    %get3A_607 = arith.constant 6784 : index
    %get3A_608 = vector.load %arg3[%get3A_606, %get3A_607] : memref<1x6912xf32, #tpu.memory_space<vmem>>, vector<1x128xf32>
    %add3A_609 = vector.broadcast %get3A_608 : vector<1x128xf32> to vector<1024x128xf32>
    %add3A_610 = arith.addf %slice3A_605, %add3A_609 : vector<1024x128xf32>
    %lt3A_611 = arith.cmpf olt, %add3A_610, %select_n3A_601 : vector<1024x128xf32>
    %select_n3A_612 = arith.select %lt3A_611, %add3A_610, %select_n3A_601 : vector<1024x128xi1>, vector<1024x128xf32>
    %jit3A_613 = arith.constant 53 : i32
    %broadcast_in_dim3A_614 = vector.broadcast %jit3A_613 : i32 to vector<1024x128xi32>
    %select_n3A_615 = arith.select %lt3A_611, %broadcast_in_dim3A_614, %select_n3A_604 : vector<1024x128xi1>, vector<1024x128xi32>
    %reduce_min3A = arith.constant dense<0x7F800000> : vector<1024xf32>
    %reduce_min3A_616 = vector.multi_reduction <minimumf>, %select_n3A_612, %reduce_min3A [1] : vector<1024x128xf32> to vector<1024xf32>
    %broadcast_in_dim3A_617 = vector.shape_cast %reduce_min3A_616 : vector<1024xf32> to vector<1024x1xf32>
    %iota3A = tpu.iota {dimensions = array<i32: 1>} : vector<1024x128xi32>
    %eq3A = vector.broadcast %broadcast_in_dim3A_617 : vector<1024x1xf32> to vector<1024x128xf32>
    %eq3A_618 = arith.cmpf oeq, %select_n3A_612, %eq3A : vector<1024x128xf32>
    %mul3A = arith.constant 128 : i32
    %mul3A_619 = vector.broadcast %mul3A : i32 to vector<1024x128xi32>
    %mul3A_620 = arith.muli %select_n3A_615, %mul3A_619 : vector<1024x128xi32>
    %add3A_621 = arith.addi %mul3A_620, %iota3A : vector<1024x128xi32>
    %jit3A_622 = arith.constant 1073741824 : i32
    %broadcast_in_dim3A_623 = vector.broadcast %jit3A_622 : i32 to vector<1024x128xi32>
    %select_n3A_624 = arith.select %eq3A_618, %add3A_621, %broadcast_in_dim3A_623 : vector<1024x128xi1>, vector<1024x128xi32>
    %reduce_min3A_625 = arith.constant dense<2147483647> : vector<1024xi32>
    %reduce_min3A_626 = vector.multi_reduction <minsi>, %select_n3A_624, %reduce_min3A_625 [1] : vector<1024x128xi32> to vector<1024xi32>
    %broadcast_in_dim3A_627 = vector.shape_cast %reduce_min3A_626 : vector<1024xi32> to vector<1024x1xi32>
    %swap3A = arith.constant 0 : index
    %swap3A_628 = arith.constant 0 : index
    %swap3A_629 = vector.load %arg4[%swap3A, %swap3A_628] : memref<1024x1xi32, #tpu.memory_space<vmem>>, vector<1024x1xi32>
    tpu.vector_store %arg4[%swap3A, %swap3A_628], %broadcast_in_dim3A_627 {strides = array<i32>} : memref<1024x1xi32, #tpu.memory_space<vmem>>, vector<1024x1xi32>,
    return
  }
  func.func @transform_0(%arg0: i32) -> (i32, i32) {
    %c0_i32 = arith.constant 0 : i32
    %c0_i32_0 = arith.constant 0 : i32
    return %arg0, %c0_i32 : i32, i32
  }
  func.func @transform_1(%arg0: i32) -> (i32, i32) {
    %c0_i32 = arith.constant 0 : i32
    %c0_i32_0 = arith.constant 0 : i32
    %c0_i32_1 = arith.constant 0 : i32
    return %c0_i32, %c0_i32_0 : i32, i32
  }
  func.func @transform_2(%arg0: i32) -> (i32, i32) {
    %c0_i32 = arith.constant 0 : i32
    %c0_i32_0 = arith.constant 0 : i32
    %c0_i32_1 = arith.constant 0 : i32
    return %c0_i32, %c0_i32_0 : i32, i32
  }
  func.func @transform_3(%arg0: i32) -> (i32, i32) {
    %c0_i32 = arith.constant 0 : i32
    %c0_i32_0 = arith.constant 0 : i32
    return %arg0, %c0_i32 : i32, i32
  }
}

module attributes {stable_mosaic.version = 14 : i64} {
  func.func @_dense_body(%arg0: i32, %arg1: memref<1024x8xf32, #tpu.memory_space<vmem>>, %arg2: memref<1024x4xf32, #tpu.memory_space<vmem>>, %arg3: memref<1024x16xf32, #tpu.memory_space<vmem>>, %arg4: memref<1024x12xf32, #tpu.memory_space<vmem>>) attributes {dimension_semantics = [#tpu.dimension_semantics<arbitrary>], iteration_bounds = array<i64: 49>, scalar_prefetch = 0 : i64, scratch_operands = 0 : i64, tpu.core_type = #tpu.core_type<tc>, window_params = [{transform_indices = @transform_0, window_bounds = array<i64: 1024, 8>}, {transform_indices = @transform_1, window_bounds = array<i64: 1024, 4>}, {transform_indices = @transform_2, window_bounds = array<i64: 1024, 16>}, {transform_indices = @transform_3, window_bounds = array<i64: 1024, 12>}]} {
    %get3A = arith.constant 0 : index
    %get3A_0 = arith.constant 0 : index
    %get3A_1 = vector.load %arg1[%get3A, %get3A_0] : memref<1024x8xf32, #tpu.memory_space<vmem>>, vector<1024x8xf32>
    %transpose3A = tpu.transpose %get3A_1, [1, 0] : vector<1024x8xf32> -> vector<8x1024xf32>
    %get3A_2 = arith.constant 0 : index
    %get3A_3 = arith.constant 0 : index
    %get3A_4 = vector.load %arg2[%get3A_2, %get3A_3] : memref<1024x4xf32, #tpu.memory_space<vmem>>, vector<1024x4xf32>
    %transpose3A_5 = tpu.transpose %get3A_4, [1, 0] : vector<1024x4xf32> -> vector<4x1024xf32>
    %get3A_6 = arith.constant 0 : index
    %get3A_7 = arith.constant 0 : index
    %get3A_8 = vector.load %arg3[%get3A_6, %get3A_7] : memref<1024x16xf32, #tpu.memory_space<vmem>>, vector<1024x16xf32>
    %transpose3A_9 = tpu.transpose %get3A_8, [1, 0] : vector<1024x16xf32> -> vector<16x1024xf32>
    %slice3A = vector.extract_strided_slice %transpose3A {offsets = [0, 0], sizes = [1, 1024], strides = [1, 1]} : vector<8x1024xf32> to vector<1x1024xf32>
    %slice3A_10 = vector.extract_strided_slice %transpose3A {offsets = [1, 0], sizes = [1, 1024], strides = [1, 1]} : vector<8x1024xf32> to vector<1x1024xf32>
    %slice3A_11 = vector.extract_strided_slice %transpose3A {offsets = [2, 0], sizes = [1, 1024], strides = [1, 1]} : vector<8x1024xf32> to vector<1x1024xf32>
    %slice3A_12 = vector.extract_strided_slice %transpose3A_5 {offsets = [0, 0], sizes = [1, 1024], strides = [1, 1]} : vector<4x1024xf32> to vector<1x1024xf32>
    %slice3A_13 = vector.extract_strided_slice %transpose3A_5 {offsets = [1, 0], sizes = [1, 1024], strides = [1, 1]} : vector<4x1024xf32> to vector<1x1024xf32>
    %slice3A_14 = vector.extract_strided_slice %transpose3A_5 {offsets = [2, 0], sizes = [1, 1024], strides = [1, 1]} : vector<4x1024xf32> to vector<1x1024xf32>
    %slice3A_15 = vector.extract_strided_slice %transpose3A_5 {offsets = [3, 0], sizes = [1, 1024], strides = [1, 1]} : vector<4x1024xf32> to vector<1x1024xf32>
    %slice3A_16 = vector.extract_strided_slice %transpose3A_9 {offsets = [0, 0], sizes = [1, 1024], strides = [1, 1]} : vector<16x1024xf32> to vector<1x1024xf32>
    %slice3A_17 = vector.extract_strided_slice %transpose3A_9 {offsets = [1, 0], sizes = [1, 1024], strides = [1, 1]} : vector<16x1024xf32> to vector<1x1024xf32>
    %slice3A_18 = vector.extract_strided_slice %transpose3A_9 {offsets = [2, 0], sizes = [1, 1024], strides = [1, 1]} : vector<16x1024xf32> to vector<1x1024xf32>
    %slice3A_19 = vector.extract_strided_slice %transpose3A_9 {offsets = [3, 0], sizes = [1, 1024], strides = [1, 1]} : vector<16x1024xf32> to vector<1x1024xf32>
    %slice3A_20 = vector.extract_strided_slice %transpose3A_9 {offsets = [4, 0], sizes = [1, 1024], strides = [1, 1]} : vector<16x1024xf32> to vector<1x1024xf32>
    %slice3A_21 = vector.extract_strided_slice %transpose3A_9 {offsets = [5, 0], sizes = [1, 1024], strides = [1, 1]} : vector<16x1024xf32> to vector<1x1024xf32>
    %slice3A_22 = vector.extract_strided_slice %transpose3A_9 {offsets = [6, 0], sizes = [1, 1024], strides = [1, 1]} : vector<16x1024xf32> to vector<1x1024xf32>
    %slice3A_23 = vector.extract_strided_slice %transpose3A_9 {offsets = [7, 0], sizes = [1, 1024], strides = [1, 1]} : vector<16x1024xf32> to vector<1x1024xf32>
    %slice3A_24 = vector.extract_strided_slice %transpose3A_9 {offsets = [8, 0], sizes = [1, 1024], strides = [1, 1]} : vector<16x1024xf32> to vector<1x1024xf32>
    %slice3A_25 = vector.extract_strided_slice %transpose3A_9 {offsets = [9, 0], sizes = [1, 1024], strides = [1, 1]} : vector<16x1024xf32> to vector<1x1024xf32>
    %slice3A_26 = vector.extract_strided_slice %transpose3A_9 {offsets = [10, 0], sizes = [1, 1024], strides = [1, 1]} : vector<16x1024xf32> to vector<1x1024xf32>
    %slice3A_27 = vector.extract_strided_slice %transpose3A_9 {offsets = [11, 0], sizes = [1, 1024], strides = [1, 1]} : vector<16x1024xf32> to vector<1x1024xf32>
    %mul3A = arith.mulf %slice3A_12, %slice3A_12 : vector<1x1024xf32>
    %mul3A_28 = arith.mulf %slice3A_13, %slice3A_13 : vector<1x1024xf32>
    %add3A = arith.addf %mul3A, %mul3A_28 : vector<1x1024xf32>
    %mul3A_29 = arith.mulf %slice3A_14, %slice3A_14 : vector<1x1024xf32>
    %add3A_30 = arith.addf %add3A, %mul3A_29 : vector<1x1024xf32>
    %mul3A_31 = arith.mulf %slice3A_15, %slice3A_15 : vector<1x1024xf32>
    %add3A_32 = arith.addf %add3A_30, %mul3A_31 : vector<1x1024xf32>
    %sqrt3A = math.sqrt %add3A_32 : vector<1x1024xf32>
    %div3A = arith.divf %slice3A_12, %sqrt3A : vector<1x1024xf32>
    %div3A_33 = arith.divf %slice3A_13, %sqrt3A : vector<1x1024xf32>
    %div3A_34 = arith.divf %slice3A_14, %sqrt3A : vector<1x1024xf32>
    %div3A_35 = arith.divf %slice3A_15, %sqrt3A : vector<1x1024xf32>
    %mul3A_36 = arith.mulf %div3A_34, %div3A_34 : vector<1x1024xf32>
    %mul3A_37 = arith.mulf %div3A_35, %div3A_35 : vector<1x1024xf32>
    %add3A_38 = arith.addf %mul3A_36, %mul3A_37 : vector<1x1024xf32>
    %mul3A_39 = arith.constant 2.000000e+00 : f32
    %mul3A_40 = vector.broadcast %mul3A_39 : f32 to vector<1x1024xf32>
    %mul3A_41 = arith.mulf %mul3A_40, %add3A_38 : vector<1x1024xf32>
    %sub3A = arith.constant 1.000000e+00 : f32
    %sub3A_42 = vector.broadcast %sub3A : f32 to vector<1x1024xf32>
    %sub3A_43 = arith.subf %sub3A_42, %mul3A_41 : vector<1x1024xf32>
    %mul3A_44 = arith.mulf %div3A_33, %div3A_34 : vector<1x1024xf32>
    %mul3A_45 = arith.mulf %div3A, %div3A_35 : vector<1x1024xf32>
    %sub3A_46 = arith.subf %mul3A_44, %mul3A_45 : vector<1x1024xf32>
    %mul3A_47 = arith.constant 2.000000e+00 : f32
    %mul3A_48 = vector.broadcast %mul3A_47 : f32 to vector<1x1024xf32>
    %mul3A_49 = arith.mulf %mul3A_48, %sub3A_46 : vector<1x1024xf32>
    %mul3A_50 = arith.mulf %div3A_33, %div3A_35 : vector<1x1024xf32>
    %mul3A_51 = arith.mulf %div3A, %div3A_34 : vector<1x1024xf32>
    %add3A_52 = arith.addf %mul3A_50, %mul3A_51 : vector<1x1024xf32>
    %mul3A_53 = arith.constant 2.000000e+00 : f32
    %mul3A_54 = vector.broadcast %mul3A_53 : f32 to vector<1x1024xf32>
    %mul3A_55 = arith.mulf %mul3A_54, %add3A_52 : vector<1x1024xf32>
    %mul3A_56 = arith.mulf %div3A_33, %div3A_34 : vector<1x1024xf32>
    %mul3A_57 = arith.mulf %div3A, %div3A_35 : vector<1x1024xf32>
    %add3A_58 = arith.addf %mul3A_56, %mul3A_57 : vector<1x1024xf32>
    %mul3A_59 = arith.constant 2.000000e+00 : f32
    %mul3A_60 = vector.broadcast %mul3A_59 : f32 to vector<1x1024xf32>
    %mul3A_61 = arith.mulf %mul3A_60, %add3A_58 : vector<1x1024xf32>
    %mul3A_62 = arith.mulf %div3A_33, %div3A_33 : vector<1x1024xf32>
    %mul3A_63 = arith.mulf %div3A_35, %div3A_35 : vector<1x1024xf32>
    %add3A_64 = arith.addf %mul3A_62, %mul3A_63 : vector<1x1024xf32>
    %mul3A_65 = arith.constant 2.000000e+00 : f32
    %mul3A_66 = vector.broadcast %mul3A_65 : f32 to vector<1x1024xf32>
    %mul3A_67 = arith.mulf %mul3A_66, %add3A_64 : vector<1x1024xf32>
    %sub3A_68 = arith.constant 1.000000e+00 : f32
    %sub3A_69 = vector.broadcast %sub3A_68 : f32 to vector<1x1024xf32>
    %sub3A_70 = arith.subf %sub3A_69, %mul3A_67 : vector<1x1024xf32>
    %mul3A_71 = arith.mulf %div3A_34, %div3A_35 : vector<1x1024xf32>
    %mul3A_72 = arith.mulf %div3A, %div3A_33 : vector<1x1024xf32>
    %sub3A_73 = arith.subf %mul3A_71, %mul3A_72 : vector<1x1024xf32>
    %mul3A_74 = arith.constant 2.000000e+00 : f32
    %mul3A_75 = vector.broadcast %mul3A_74 : f32 to vector<1x1024xf32>
    %mul3A_76 = arith.mulf %mul3A_75, %sub3A_73 : vector<1x1024xf32>
    %mul3A_77 = arith.mulf %div3A_33, %div3A_35 : vector<1x1024xf32>
    %mul3A_78 = arith.mulf %div3A, %div3A_34 : vector<1x1024xf32>
    %sub3A_79 = arith.subf %mul3A_77, %mul3A_78 : vector<1x1024xf32>
    %mul3A_80 = arith.constant 2.000000e+00 : f32
    %mul3A_81 = vector.broadcast %mul3A_80 : f32 to vector<1x1024xf32>
    %mul3A_82 = arith.mulf %mul3A_81, %sub3A_79 : vector<1x1024xf32>
    %mul3A_83 = arith.mulf %div3A_34, %div3A_35 : vector<1x1024xf32>
    %mul3A_84 = arith.mulf %div3A, %div3A_33 : vector<1x1024xf32>
    %add3A_85 = arith.addf %mul3A_83, %mul3A_84 : vector<1x1024xf32>
    %mul3A_86 = arith.constant 2.000000e+00 : f32
    %mul3A_87 = vector.broadcast %mul3A_86 : f32 to vector<1x1024xf32>
    %mul3A_88 = arith.mulf %mul3A_87, %add3A_85 : vector<1x1024xf32>
    %mul3A_89 = arith.mulf %div3A_33, %div3A_33 : vector<1x1024xf32>
    %mul3A_90 = arith.mulf %div3A_34, %div3A_34 : vector<1x1024xf32>
    %add3A_91 = arith.addf %mul3A_89, %mul3A_90 : vector<1x1024xf32>
    %mul3A_92 = arith.constant 2.000000e+00 : f32
    %mul3A_93 = vector.broadcast %mul3A_92 : f32 to vector<1x1024xf32>
    %mul3A_94 = arith.mulf %mul3A_93, %add3A_91 : vector<1x1024xf32>
    %sub3A_95 = arith.constant 1.000000e+00 : f32
    %sub3A_96 = vector.broadcast %sub3A_95 : f32 to vector<1x1024xf32>
    %sub3A_97 = arith.subf %sub3A_96, %mul3A_94 : vector<1x1024xf32>
    %mul3A_98 = arith.mulf %slice3A_16, %slice3A : vector<1x1024xf32>
    %mul3A_99 = arith.mulf %slice3A_17, %slice3A_10 : vector<1x1024xf32>
    %add3A_100 = arith.addf %mul3A_98, %mul3A_99 : vector<1x1024xf32>
    %mul3A_101 = arith.mulf %slice3A_18, %slice3A_11 : vector<1x1024xf32>
    %add3A_102 = arith.addf %add3A_100, %mul3A_101 : vector<1x1024xf32>
    %add3A_103 = arith.addf %add3A_102, %slice3A_19 : vector<1x1024xf32>
    %mul3A_104 = arith.mulf %slice3A_20, %slice3A : vector<1x1024xf32>
    %mul3A_105 = arith.mulf %slice3A_21, %slice3A_10 : vector<1x1024xf32>
    %add3A_106 = arith.addf %mul3A_104, %mul3A_105 : vector<1x1024xf32>
    %mul3A_107 = arith.mulf %slice3A_22, %slice3A_11 : vector<1x1024xf32>
    %add3A_108 = arith.addf %add3A_106, %mul3A_107 : vector<1x1024xf32>
    %add3A_109 = arith.addf %add3A_108, %slice3A_23 : vector<1x1024xf32>
    %mul3A_110 = arith.mulf %slice3A_24, %slice3A : vector<1x1024xf32>
    %mul3A_111 = arith.mulf %slice3A_25, %slice3A_10 : vector<1x1024xf32>
    %add3A_112 = arith.addf %mul3A_110, %mul3A_111 : vector<1x1024xf32>
    %mul3A_113 = arith.mulf %slice3A_26, %slice3A_11 : vector<1x1024xf32>
    %add3A_114 = arith.addf %add3A_112, %mul3A_113 : vector<1x1024xf32>
    %add3A_115 = arith.addf %add3A_114, %slice3A_27 : vector<1x1024xf32>
    %mul3A_116 = arith.mulf %slice3A_16, %sub3A_43 : vector<1x1024xf32>
    %mul3A_117 = arith.mulf %slice3A_17, %mul3A_61 : vector<1x1024xf32>
    %add3A_118 = arith.addf %mul3A_116, %mul3A_117 : vector<1x1024xf32>
    %mul3A_119 = arith.mulf %slice3A_18, %mul3A_82 : vector<1x1024xf32>
    %add3A_120 = arith.addf %add3A_118, %mul3A_119 : vector<1x1024xf32>
    %mul3A_121 = arith.mulf %slice3A_16, %mul3A_49 : vector<1x1024xf32>
    %mul3A_122 = arith.mulf %slice3A_17, %sub3A_70 : vector<1x1024xf32>
    %add3A_123 = arith.addf %mul3A_121, %mul3A_122 : vector<1x1024xf32>
    %mul3A_124 = arith.mulf %slice3A_18, %mul3A_88 : vector<1x1024xf32>
    %add3A_125 = arith.addf %add3A_123, %mul3A_124 : vector<1x1024xf32>
    %mul3A_126 = arith.mulf %slice3A_16, %mul3A_55 : vector<1x1024xf32>
    %mul3A_127 = arith.mulf %slice3A_17, %mul3A_76 : vector<1x1024xf32>
    %add3A_128 = arith.addf %mul3A_126, %mul3A_127 : vector<1x1024xf32>
    %mul3A_129 = arith.mulf %slice3A_18, %sub3A_97 : vector<1x1024xf32>
    %add3A_130 = arith.addf %add3A_128, %mul3A_129 : vector<1x1024xf32>
    %mul3A_131 = arith.mulf %slice3A_20, %sub3A_43 : vector<1x1024xf32>
    %mul3A_132 = arith.mulf %slice3A_21, %mul3A_61 : vector<1x1024xf32>
    %add3A_133 = arith.addf %mul3A_131, %mul3A_132 : vector<1x1024xf32>
    %mul3A_134 = arith.mulf %slice3A_22, %mul3A_82 : vector<1x1024xf32>
    %add3A_135 = arith.addf %add3A_133, %mul3A_134 : vector<1x1024xf32>
    %mul3A_136 = arith.mulf %slice3A_20, %mul3A_49 : vector<1x1024xf32>
    %mul3A_137 = arith.mulf %slice3A_21, %sub3A_70 : vector<1x1024xf32>
    %add3A_138 = arith.addf %mul3A_136, %mul3A_137 : vector<1x1024xf32>
    %mul3A_139 = arith.mulf %slice3A_22, %mul3A_88 : vector<1x1024xf32>
    %add3A_140 = arith.addf %add3A_138, %mul3A_139 : vector<1x1024xf32>
    %mul3A_141 = arith.mulf %slice3A_20, %mul3A_55 : vector<1x1024xf32>
    %mul3A_142 = arith.mulf %slice3A_21, %mul3A_76 : vector<1x1024xf32>
    %add3A_143 = arith.addf %mul3A_141, %mul3A_142 : vector<1x1024xf32>
    %mul3A_144 = arith.mulf %slice3A_22, %sub3A_97 : vector<1x1024xf32>
    %add3A_145 = arith.addf %add3A_143, %mul3A_144 : vector<1x1024xf32>
    %mul3A_146 = arith.mulf %slice3A_24, %sub3A_43 : vector<1x1024xf32>
    %mul3A_147 = arith.mulf %slice3A_25, %mul3A_61 : vector<1x1024xf32>
    %add3A_148 = arith.addf %mul3A_146, %mul3A_147 : vector<1x1024xf32>
    %mul3A_149 = arith.mulf %slice3A_26, %mul3A_82 : vector<1x1024xf32>
    %add3A_150 = arith.addf %add3A_148, %mul3A_149 : vector<1x1024xf32>
    %mul3A_151 = arith.mulf %slice3A_24, %mul3A_49 : vector<1x1024xf32>
    %mul3A_152 = arith.mulf %slice3A_25, %sub3A_70 : vector<1x1024xf32>
    %add3A_153 = arith.addf %mul3A_151, %mul3A_152 : vector<1x1024xf32>
    %mul3A_154 = arith.mulf %slice3A_26, %mul3A_88 : vector<1x1024xf32>
    %add3A_155 = arith.addf %add3A_153, %mul3A_154 : vector<1x1024xf32>
    %mul3A_156 = arith.mulf %slice3A_24, %mul3A_55 : vector<1x1024xf32>
    %mul3A_157 = arith.mulf %slice3A_25, %mul3A_76 : vector<1x1024xf32>
    %add3A_158 = arith.addf %mul3A_156, %mul3A_157 : vector<1x1024xf32>
    %mul3A_159 = arith.mulf %slice3A_26, %sub3A_97 : vector<1x1024xf32>
    %add3A_160 = arith.addf %add3A_158, %mul3A_159 : vector<1x1024xf32>
    %concatenate3A = tpu.concatenate %add3A_103, %add3A_109, %add3A_115, %add3A_120, %add3A_125, %add3A_130, %add3A_135, %add3A_140, %add3A_145, %add3A_150, %add3A_155, %add3A_160 in 0 : vector<1x1024xf32>, vector<1x1024xf32>, vector<1x1024xf32>, vector<1x1024xf32>, vector<1x1024xf32>, vector<1x1024xf32>, vector<1x1024xf32>, vector<1x1024xf32>, vector<1x1024xf32>, vector<1x1024xf32>, vector<1x1024xf32>, vector<1x1024xf32> -> vector<12x1024xf32>
    %transpose3A_161 = tpu.transpose %concatenate3A, [1, 0] : vector<12x1024xf32> -> vector<1024x12xf32>
    %swap3A = arith.constant 0 : index
    %swap3A_162 = arith.constant 0 : index
    %swap3A_163 = vector.load %arg4[%swap3A, %swap3A_162] : memref<1024x12xf32, #tpu.memory_space<vmem>>, vector<1024x12xf32>
    tpu.vector_store %arg4[%swap3A, %swap3A_162], %transpose3A_161 {strides = array<i32>} : memref<1024x12xf32, #tpu.memory_space<vmem>>, vector<1024x12xf32>,
    return
  }
  func.func @transform_0(%arg0: i32) -> (i32, i32) {
    %c0_i32 = arith.constant 0 : i32
    %c0_i32_0 = arith.constant 0 : i32
    return %arg0, %c0_i32 : i32, i32
  }
  func.func @transform_1(%arg0: i32) -> (i32, i32) {
    %c0_i32 = arith.constant 0 : i32
    %c0_i32_0 = arith.constant 0 : i32
    return %arg0, %c0_i32 : i32, i32
  }
  func.func @transform_2(%arg0: i32) -> (i32, i32) {
    %c0_i32 = arith.constant 0 : i32
    %c0_i32_0 = arith.constant 0 : i32
    return %arg0, %c0_i32 : i32, i32
  }
  func.func @transform_3(%arg0: i32) -> (i32, i32) {
    %c0_i32 = arith.constant 0 : i32
    %c0_i32_0 = arith.constant 0 : i32
    return %arg0, %c0_i32 : i32, i32
  }
}

</mosaic_0001>

<sc_bundles>
// kernel: kernel.6.cloned.1.call-start
scs
__scs_entry_jumppad:
0x0: {  	(pc) =	sbr.rel $0x88, $3  }
0x1: {  	(tag) =	ssettag $0x0;
	lr =	simm.s32 $0x1  }
0x2: {  	[smem:$0x3F9C] =	sst lr;
	_ =	strace $0xD0000000  }
0x3: {  	_ = 	snop  }
0x4: {  	_ = 	snop  }
0x5: {  	_ = 	snop  }
0x6: {  	_ = 	snop  }
0x7: {  	_ = 	snop  }
__scs_overlays_trampoline_lowered:
0x8: {  	[smem:$0x3FAB] =	sst s0  }
0x9: {  	[smem:$0x3FAC] =	sst s1  }
0xa: {  	[smem:$0x3FAD] =	sst s2  }
0xb: {  	[smem:$0x3FAE] =	sst s3  }
0xc: {  	[smem:$0x3FAF] =	sst s4  }
0xd: {  	[smem:$0x3FB0] =	sst s5  }
0xe: {  	[smem:$0x3FB1] =	sst s6  }
0xf: {  	[smem:$0x3FB2] =	sst s7  }
0x10: {  	[smem:$0x3FB3] =	sst s8  }
0x11: {  	[smem:$0x3FB4] =	sst s9;
	s0 =	simm.s32 @!p0 $0x0  }
0x12: {  	s1 =	sld [smem:$0x3F9A];
	s0 =	simm.s32 @p0 $0x1  }
0x13: {  	[smem:$0x3FB5] =	sst s0;
	s0 =	simm.s32 @!p1 $0x0  }
0x14: {  	s2 =	sld [smem:$0x3F99];
	s0 =	simm.s32 @p1 $0x1  }
0x15: {  	[smem:$0x3FB6] =	sst s0;
	s0 =	simm.s32 @!p2 $0x0  }
0x16: {  	s3 =	sld [smem:$0x3FDB];
	s0 =	simm.s32 @p2 $0x1  }
0x17: {  	s4 =	simm.s32 $0x1BF5;
	[smem:$0x3FB8] =	sst s0  }
0x18: {  	s0 =	sld [smem:$0x3F9B];
	_ =	swait.ge [sflag:s4], $0x0  }
0x19: {  	s7 =	sld [smem:$0x3F9C]  }
0x1a: {  	s8 =	sadd.s32 $0xFFFFE003, lr  }
0x1b: {  	s9 =	sadd.s32 $0xFFFFFEF7, lr;
	s5 =	simm.s32 $0xFFFFFFFF;
	p2 =	slt.u32 s8, $0xFFFFF086  }
0x1c: {  	p1 =	slt.u32 s9, $0xF7A;
	s5 =	simm.s32 @!p2 $0x0  }
0x1d: {  	s5 =	simm.s32 @p1 $0x1;
	p0 =	seq.s32 s7, s2  }
0x1e: {  	s7 =	smul.u32 @!p0 $0xF7A, s2;
	p2 =	seq.s32 @!p0 s5, $0x0  }
0x1f: {  	s9 =	smul.u32 $0xF7A, s1;
	s8 =	simm.s32 @!p0 $0x1BF5;
	p2 =	por !p2, p0  }
0x20: {  	[sflag:s8] =	ssyncset.s32 @!p0 $0xFFFFF086;
	s6 =	sadd.s32 @!p0 s3, s7;
	s7 =	simm.s32 @!p0 $0x108  }
0x21: {  	s3 =	sadd.s32 s3, s9;
	s6 =	sadd.s32 @!p0 $0x88, s6;
	s7 =	simm.s32 @p2 $0x1082  }
0x22: {  	[simem:s7], [sflag:s8] =	dma.local @!p0 [hbm:s6], $0xF7A  }
0x23: {  	s9 =	sor.u32 $0xD0000000, s2;
	s6 =	simm.s32 $0x108;
	_ =	swait.ge @!p0 [sflag:s8], $0x0  }
0x24: {  	s3 =	sadd.s32 $0x88, s3;
	s6 =	simm.s32 @!p1 $0x1082;
	[sflag:s4] =	ssyncset.s32 $0xFFFFF086  }
0x25: {  	[simem:s6], [sflag:s4] =	dma.local [hbm:s3], $0xF7A  }
0x26: {  	[smem:$0x3F9C] =	sst s1;
	(tag) =	ssettag s2;
	_ =	strace s9  }
0x27: {  	s1 =	sld [smem:$0x3FAC]  }
0x28: {  	s2 =	sld [smem:$0x3FAD]  }
0x29: {  	s4 =	sld [smem:$0x3FAF]  }
0x2a: {  	p0 =	seq.s32 s5, $0x0;
	s5 =	sld [smem:$0x3FB0]  }
0x2b: {  	s6 =	sld [smem:$0x3FB1]  }
0x2c: {  	s7 =	sld [smem:$0x3FB2]  }
0x2d: {  	s3 =	simm.s32 $0x108;
	s8 =	sld [smem:$0x3FB3]  }
0x2e: {  	s3 =	simm.s32 @!p0 $0x1082;
	s9 =	sld [smem:$0x3FB4]  }
0x2f: {  	lr =	sadd.s32 s0, s3;
	s0 =	sld [smem:$0x3FAB]  }
0x30: {  	s3 =	sld [smem:$0x3FAE]  }
0x31: {  	[smem:$0x3FB7] =	sst s10  }
0x32: {  	s10 =	sld [smem:$0x3FB5];
	_ =	sdelay $0x3  }
0x33: {  	p0 =	seq.s32 s10, $0x1;
	s10 =	sld [smem:$0x3FB7];
	_ =	sdelay $0x3  }
0x34: {  	[smem:$0x3FB7] =	sst s10  }
0x35: {  	s10 =	sld [smem:$0x3FB6];
	_ =	sdelay $0x3  }
0x36: {  	p1 =	seq.s32 s10, $0x1;
	s10 =	sld [smem:$0x3FB7];
	_ =	sdelay $0x3  }
0x37: {  	[smem:$0x3FB7] =	sst s10  }
0x38: {  	s10 =	sld [smem:$0x3FB8]  }
0x39: {  	_ = 	snop;
	(pc) =	sbr.ind lr, $3  }
0x3a: {  	_ = 	snop  }
0x3b: {  	_ = 	snop  }
0x3c: {  	p2 =	seq.s32 s10, $0x1;
	s10 =	sld [smem:$0x3FB7]  }
0x3d: {  	_ =	shalt  }
0x3e: {  	_ =	shalt  }
0x3f: {  	_ =	shalt  }
0x40: {  	_ =	shalt  }
0x41: {  	_ =	shalt  }
0x42: {  	_ =	shalt  }
0x43: {  	_ =	shalt  }
0x44: {  	_ =	shalt  }
0x45: {  	_ =	shalt  }
0x46: {  	_ =	shalt  }
0x47: {  	_ =	shalt  }
0x48: {  	_ =	shalt  }
0x49: {  	_ =	shalt  }
0x4a: {  	_ =	shalt  }
0x4b: {  	_ =	shalt  }
0x4c: {  	_ =	shalt  }
0x4d: {  	_ =	shalt  }
0x4e: {  	_ =	shalt  }
0x4f: {  	_ =	shalt  }
0x50: {  	_ =	shalt  }
0x51: {  	_ =	shalt  }
0x52: {  	_ =	shalt  }
0x53: {  	_ =	shalt  }
0x54: {  	_ =	shalt  }
0x55: {  	_ =	shalt  }
0x56: {  	_ =	shalt  }
0x57: {  	_ =	shalt  }
0x58: {  	_ =	shalt  }
0x59: {  	_ =	shalt  }
0x5a: {  	_ =	shalt  }
0x5b: {  	_ =	shalt  }
0x5c: {  	_ =	shalt  }
0x5d: {  	_ =	shalt  }
0x5e: {  	_ =	shalt  }
0x5f: {  	_ =	shalt  }
0x60: {  	_ =	shalt  }
0x61: {  	_ =	shalt  }
0x62: {  	_ =	shalt  }
0x63: {  	_ =	shalt  }
0x64: {  	_ =	shalt  }
0x65: {  	_ =	shalt  }
0x66: {  	_ =	shalt  }
0x67: {  	_ =	shalt  }
0x68: {  	_ =	shalt  }
0x69: {  	_ =	shalt  }
0x6a: {  	_ =	shalt  }
0x6b: {  	_ =	shalt  }
0x6c: {  	_ =	shalt  }
0x6d: {  	_ =	shalt  }
0x6e: {  	_ =	shalt  }
0x6f: {  	_ =	shalt  }
0x70: {  	_ =	shalt  }
0x71: {  	_ =	shalt  }
0x72: {  	_ =	shalt  }
0x73: {  	_ =	shalt  }
0x74: {  	_ =	shalt  }
0x75: {  	_ =	shalt  }
0x76: {  	_ =	shalt  }
0x77: {  	_ =	shalt  }
0x78: {  	_ =	shalt  }
0x79: {  	_ =	shalt  }
0x7a: {  	_ =	shalt  }
0x7b: {  	_ =	shalt  }
0x7c: {  	_ =	shalt  }
0x7d: {  	_ =	shalt  }
0x7e: {  	_ =	shalt  }
0x7f: {  	_ =	shalt  }
0x80: {  	_ =	shalt  }
0x81: {  	_ =	shalt  }
0x82: {  	_ =	shalt  }
0x83: {  	_ =	shalt  }
0x84: {  	_ =	shalt  }
0x85: {  	_ =	shalt  }
0x86: {  	_ =	shalt  }
0x87: {  	_ =	shalt  }
.Lfunc_end0:
.L_simem_size_0:
called_computation_lowered:
.L_overlay_start_0:
0x88: {  	s2 =	sld [smem:$0x3FD9]  }
0x89: {  	s3 =	sld [smem:$0x3FFE];
	_ =	sdelay $0x1  }
0x8a: {  	s1 =	srdreg.scid  }
0x8b: {  	s0 =	sand.u32 $0x1, s1  }
0x8c: {  	s17 =	sshll.u32 s0, $0xA;
	s2 =	sadd.s32 s3, s2  }
0x8d: {  	s2 =	sadd.s32 s2, s17  }
0x8e: {  	[smem:$0x3FC3] =	sst s2  }
0x8f: {  	_ = 	snop  }
0x90: {  	s2 =	sld [smem:$0x3FD0];
	(tm) =	ssettm $0x1  }
0x91: {  	s18 =	sld [smem:$0x3FFB];
	_ =	sdelay $0x3  }
0x92: {  	_ =	strace s18  }
0x93: {  	s3 =	sld [smem:$0x3FFC];
	_ =	sdelay $0x3  }
0x94: {  	_ =	strace s3  }
0x95: {  	s3 =	sld [smem:$0x3FFD];
	_ =	sdelay $0x3  }
0x96: {  	_ =	strace s3  }
0x97: {  	_ =	strace $0x8FFFFFFF  }
0x98: {  	s19 =	sld [smem:$0x3FDB];
	_ =	sdelay $0x1  }
0x99: {  	s4 =	simm.s32 $_scs_section_size  }
0x9a: {  	s5 =	simm.s32 $_size__tile_overlayer_lowered;
	s6 =	simm.s32 $_tile_overlayer_lowered  }
0x9b: {  	s22 =	simm.s32 $0x1BFF;
	s21 =	sshll.u32 s6, $0x1;
	s3 =	sadd.s32 s4, s19  }
0x9c: {  	s7 =	simm.s32 $0x0;
	s20 =	sshll.u32 s5, $0x1;
	s5 =	sadd.s32 s21, s3  }
0x9d: {  	[timem:s7], [sflag:s22] =	dma.local [hbm:s5], s20  }
0x9e: {  	_ =	swait.ge [sflag:s22], s20  }
0x9f: {  	s4 =	ssub.s32 $0x0, s20;
	[sflag:s22] =	ssyncset.done $0x0  }
0xa0: {  	[sflag:s22] =	ssyncadd.s32 s4;
	_ =	sdelay $0x1  }
0xa1: {  	s23 =	simm.s32 $0x1B8B  }
0xa2: {  	_ =	swait.ge [sflag:s23], $0x1  }
0xa3: {  	[sflag:s23] =	ssyncset.done $0x0  }
0xa4: {  	s25 =	simm.s32 $0x1B8E;
	s24 =	sld [smem:$0x3FFE];
	[sflag:s23] =	ssyncadd.s32 $0xFFFFFFFF  }
0xa5: {  	s26 =	simm.s32 $execute0_lowered;
	[smem:$0x3FD2] =	sst s25  }
0xa6: {  	s5 =	sshll.u32 s26, $0x1;
	_ =	strace $0x80000046;
	[dreg:$0x1] =	wrdreg $0xFFFFFFFF  }
0xa7: {  	s28 =	simm.s32 $_size_execute0_lowered;
	s3 =	sadd.s32 s3, s5;
	[dreg:$0x0] =	wrdreg $0x0  }
0xa8: {  	s5 =	sshll.u32 s28, $0x1;
	[dreg:$0x2] =	wrdreg s3  }
0xa9: {  	[dreg:$0x3] =	wrdreg s5  }
0xaa: {  	[dreg:$0x4] =	wrdreg $0xC0  }
0xab: {  	_ =	task [dreg:s7], $0x5FFFF  }
0xac: {  	[dreg:$0x1] =	wrdreg $0xFFFFFFFF  }
0xad: {  	[dreg:$0x0] =	wrdreg $0x60  }
0xae: {  	[dreg:$0x2] =	wrdreg s2  }
0xaf: {  	[dreg:$0x3] =	wrdreg s24  }
0xb0: {  	[dreg:$0x4] =	wrdreg $0x9  }
0xb1: {  	_ =	task.clear_ibuf [dreg:s7], $0x5FFFF;
	_ =	strace $0x90000046  }
0xb2: {  	s29 =	simm.s32 $0x9;
	_ =	strace $0x80000048  }
0xb3: {  	_ =	swait.ge [sflag:s29], $0x1  }
0xb4: {  	[sflag:s29] =	ssyncadd.s32 $0xFFFFFFFF  }
0xb5: {  	_ =	strace $0x90000048  }
0xb6: {  	_ =	sfence  }
0xb7: {  	s30 =	sld [smem:$0x0];
	_ =	sdelay $0x2  }
0xb8: {  	s31 =	sshll.u32 s1, $0xD;
	s1 =	sshrl.u32 s1, $0x2  }
0xb9: {  	s3 =	sand.u32 $0x4000, s31;
	s1 =	sadd.s32 s1, s30  }
0xba: {  	s0 =	sor.u32 s3, s0;
	s1 =	sshll.u32 s1, $0x11  }
0xbb: {  	s0 =	sor.u32 s1, s0  }
0xbc: {  	s0 =	sadd.s32 $0x8F2B, s0  }
0xbd: {  	[sflag:s0] =	ssyncadd.remote.s32 $0x1  }
0xbe: {  	_ =	sfence.sel $0xFFFF  }
0xbf: {  	[dreg:$0x0] =	wrdreg $0xFFFFFFFF;
	(pc) =	sbr.abs _section_cstart, $3  }
0xc0: {  	[dreg:$0x1] =	wrdreg $0xFFFFFFFF  }
0xc1: {  	_ =	task.clear_ibuf [dreg:s7], $0x2FFFF;
	_ =	strace $0x9FFFFFFF  }
0xc2: {  	(tm) =	ssettm $0x7FFFFFFF  }
0xc3: {  	_ =	shalt  }
tec
execute0_lowered:
.L_overlay_start_1:
0x0: {  	(tag) =	ssettag $0x1  }
0x1: {  	s1 =	srdreg.scid;
	s0 =	stileid.u32  }
0x2: {  	s2 =	rddreg [dreg:$0x0];
	s6 =	sand.u32 $0x1, s1;
	s30 =	sshll.u32 s0, $0x1  }
0x3: {  	s8 =	rddreg [dreg:$0x1];
	s7 =	sor.u32 s6, s30  }
0x4: {  	s3 =	simm.s32 $0x0;
	s1 =	rddreg [dreg:$0x2];
	s4 =	smul.u32 $0xC4, s7  }
0x5: {  	[smem:$0x7FF] =	sst s3  }
0x6: {  	_ =	strace $0x80000047;
	s10 =	ssub.s32 $0x2, s6;
	s4 =	sadd.s32 s4, s8  }
0x7: {  	s6 =	simm.s32 $0x620;
	s5 =	sadd.s32 $0x188000, s4;
	s4 =	simm.s32 $0x2  }
0x8: {  	[tilespmem:s3], [sflag:$0x2] =	stream.linear.gather [hbm4b:s5+s3], $0x620, $0x38;
	[tilespmem:$0x6820] =	vst v63  }
0x9: {  	s9 =	smul.u32 $0xC40, s7;
	s11 =	sshrl.u32 s10, $0x1;
	_ =	swait.ge [sflag:s4], $0x620  }
0xa: {  	s7 =	simm.s32 $0x1;
	s31 =	ssub.s32 s10, s11;
	[sflag:s4] =	ssyncset.done $0x0  }
0xb: {  	s8 =	sadd.s32 s9, s8;
	s9 =	smax.u32 s31, $0x1;
	[sflag:s4] =	ssyncadd.s32 $0xFFFFF9E0  }
0xc: {  	[tilespmem:s6], [sflag:$0x1] =	stream.indirect.gather [hbm4b:s2+s6], $0x10, s3, s6, $0xb8;
	[tilespmem:$0x6820] =	vst v63  }
0xd: {  	p0 =	sne.s32 s9, $0x1;
	_ =	swait.ge [sflag:s7], $0x6200  }
.Ltmp0:
0xe: {  	[sflag:s7] =	ssyncset.done $0x0;
	(pc) =	sbr.rel @!p0 .LBB2_2-.Ltmp0, $4  }
0xf: {  	s8 =	sadd.s32 $0xC4000, s8;
	[sflag:s7] =	ssyncadd.s32 $0xFFFF9E00  }
0x10: {  	[hbm4b:s8+s3] =	stream.linear.scatter [tilespmem:s6], [sflag:$0x2], $0x6200, $0x38;
	[tilespmem:$0x6820] =	vst v63  }
0x11: {  	_ =	swait.ge [sflag:s4], $0x6200  }
0x12: {  	s9 =	sadd.s32 $0xFFFFFFFF, s9;
	[sflag:s4] =	ssyncset.done $0x0  }
.LBB2_1:
0x13: {  	p0 =	sne.s32 s9, $0x1;
	s9 =	sadd.s32 $0xFFFFFFFF, s9;
	[sflag:s4] =	ssyncadd.s32 $0xFFFF9E00  }
0x14: {  	[tilespmem:s3], [sflag:$0x2] =	stream.linear.gather [hbm4b:s5+s3], $0x620, $0x38;
	[tilespmem:$0x6820] =	vst v63  }
0x15: {  	_ =	swait.ge [sflag:s4], $0x620  }
0x16: {  	[sflag:s4] =	ssyncset.done $0x0  }
0x17: {  	[sflag:s4] =	ssyncadd.s32 $0xFFFFF9E0  }
0x18: {  	[tilespmem:s6], [sflag:$0x1] =	stream.indirect.gather [hbm4b:s2+s6], $0x10, s3, s6, $0xb8;
	[tilespmem:$0x6820] =	vst v63  }
0x19: {  	_ =	swait.ge [sflag:s7], $0x6200  }
.Ltmp1:
0x1a: {  	[sflag:s7] =	ssyncset.done $0x0;
	(pc) =	sbr.rel @p0 .LBB2_1-.Ltmp1, $4  }
0x1b: {  	[sflag:s7] =	ssyncadd.s32 $0xFFFF9E00  }
0x1c: {  	[hbm4b:s8+s3] =	stream.linear.scatter [tilespmem:s6], [sflag:$0x2], $0x6200, $0x38;
	[tilespmem:$0x6820] =	vst v63  }
0x1d: {  	_ =	swait.ge [sflag:s4], $0x6200  }
0x1e: {  	[sflag:s4] =	ssyncset.done $0x0  }
.LBB2_2:
0x1f: {  	[sflag:s4] =	ssyncadd.s32 $0xFFFF9E00  }
0x20: {  	_ =	sfence.sel $0x180000  }
0x21: {  	[bflag:$0x0] =	sbarrier.arrive $0xFFFF  }
0x22: {  	p0 =	sne.s32 s0, $0x0;
	_ =	strace $0x90000047  }
0x23: {  	s0 =	sadd.s32 @!p0 $0x100000, s1;
	[bflag:$0x2] =	sbarrier.arrive $0xFFFF  }
0x24: {  	[sflag:s0] =	ssyncadd.tile.s32 @!p0 $0x1;
	_ =	shalt  }
.Lfunc_end2:
_tile_overlayer_lowered:
.L_overlay_start_2:
0x25: {  	(tag) =	ssettag $0x2  }
0x26: {  	s0 =	rddreg [dreg:$0x0];
	s2 =	stileid.u32  }
0x27: {  	s1 =	rddreg [dreg:$0x1];
	p0 =	sne.s32 s2, $0x0  }
0x28: {  	s3 =	rddreg [dreg:$0x2];
	[bflag:$0x3] =	sbarrier.arrive $0xFFFF;
	s2 =	simm.s32 @!p0 $0x1C02  }
0x29: {  	[timem:s3], [sflag:s2] =	dma.local @!p0 [hbm:s0], s1  }
0x2a: {  	s0 =	simm.s32 @!p0 $0x2  }
0x2b: {  	_ =	swait.ge @!p0 [sflag:s0], s1  }
0x2c: {  	s1 =	ssub.s32 @!p0 $0x0, s1;
	[sflag:s0] =	ssyncset.done @!p0 $0x0  }
0x2d: {  	[sflag:s0] =	ssyncadd.s32 @!p0 s1  }
0x2e: {  	[bflag:$0x3] =	sbarrier.arrive $0xFFFF  }
0x2f: {  	_ =	shalt  }

</sc_bundles>
